<compile_context>
chip_gen: v7x
topology: tpu7x:2x2x1
jax: 0.10.2.dev20260603
libtpu: 0.0.44.dev20260713+nightly
codegen_flags: <defaults>
</compile_context>

<pallas_src>
import functools

import jax
import jax.numpy as jnp
from jax import lax
from jax.experimental import pallas as pl
from jax.experimental.pallas import tpu as pltpu
from jax.experimental.pallas import tpu_sc as plsc

_NC = 2
_NS = 16
_NW = _NC * _NS
_L = 16

_CN = 8


def _pool_kernel(n, nodes, d):
    n_chunks = nodes // _CN
    tail_nodes = nodes - n_chunks * _CN
    chunks_per_w = n_chunks // _NW
    assert chunks_per_w * _NW == n_chunks and chunks_per_w % 2 == 0
    cw = 7 * _CN
    widx_words = chunks_per_w * cw
    d_vec = d // _L
    mesh = plsc.VectorSubcoreMesh(core_axis_name="c", subcore_axis_name="s")

    @functools.partial(
        pl.kernel,
        mesh=mesh,
        compiler_params=pltpu.CompilerParams(
            needs_layout_passes=False, use_tc_tiling_on_sc=False
        ),
        out_type=jax.ShapeDtypeStruct((nodes, d), jnp.float32),
        scratch_types=[
            pltpu.VMEM((cw, d), jnp.float32),
            pltpu.VMEM((cw, d), jnp.float32),
            pltpu.VMEM((widx_words,), jnp.int32),
            pltpu.SemaphoreType.DMA,
            pltpu.SemaphoreType.DMA,
            pltpu.SemaphoreType.DMA,
            pltpu.SemaphoreType.DMA,
        ],
    )
    def body(x_hbm, neigh_hbm, out_hbm, buf0, buf1, rawidx,
             gsem0, gsem1, osem0, osem1):
        wid = lax.axis_index("s") * _NC + lax.axis_index("c")
        inv7 = jnp.float32(1.0 / 7.0)
        bufs = (buf0, buf1)
        gsems = (gsem0, gsem1)
        osems = (osem0, osem1)
        base = wid * chunks_per_w

        pltpu.sync_copy(neigh_hbm.at[pl.ds(wid * widx_words, widx_words)],
                        rawidx)

        def gather_parts(g, b):
            yield (x_hbm.at[rawidx.at[pl.ds(g * cw, 32)]],
                   bufs[b].at[pl.ds(0, 32)])
            yield (x_hbm.at[rawidx.at[pl.ds(g * cw + 32, 24)]],
                   bufs[b].at[pl.ds(32, 24)])

        def start_gather(g, b):
            for src, dst in gather_parts(g, b):
                pltpu.make_async_copy(src, dst, gsems[b]).start()

        def wait_gather(g, b):
            for src, dst in gather_parts(g, b):
                pltpu.make_async_copy(src, dst, gsems[b]).wait()

        def reduce_rows(buf, n_out):
            def per_c(ci, carry):
                off = ci * _L
                for j in range(n_out):
                    acc = buf[7 * j, pl.ds(off, _L)]
                    for k in range(1, 7):
                        acc = acc + buf[7 * j + k, pl.ds(off, _L)]
                    buf[j, pl.ds(off, _L)] = acc * inv7
                return carry

            lax.fori_loop(0, d_vec, per_c, 0, unroll=False)

        start_gather(0, 0)

        def per_iter(i, carry):
            for b in range(2):
                g = i * 2 + b
                nb = 1 - b
                @pl.when(g + 1 < chunks_per_w)
                def _():
                    @pl.when(g >= 1)
                    def _():
                        pltpu.make_async_copy(
                            bufs[nb].at[pl.ds(0, _CN)],
                            out_hbm.at[pl.ds((base + g) * _CN, _CN)],
                            osems[nb],
                        ).wait()
                    start_gather(g + 1, nb)
                wait_gather(g, b)
                reduce_rows(bufs[b], _CN)
                pltpu.make_async_copy(
                    bufs[b].at[pl.ds(0, _CN)],
                    out_hbm.at[pl.ds((base + g) * _CN, _CN)],
                    osems[b],
                ).start()
            return carry

        lax.fori_loop(0, chunks_per_w // 2, per_iter, 0, unroll=False)

        for b in range(2):
            pltpu.make_async_copy(
                bufs[b].at[pl.ds(0, _CN)],
                out_hbm.at[pl.ds(base * _CN, _CN)],
                osems[b],
            ).wait()

        if tail_nodes:
            tail_words = 7 * tail_nodes

            @pl.when(wid == 0)
            def _():
                pltpu.sync_copy(
                    neigh_hbm.at[pl.ds(n_chunks * cw, tail_words)],
                    rawidx.at[pl.ds(0, tail_words)],
                )
                pltpu.async_copy(
                    x_hbm.at[rawidx.at[pl.ds(0, tail_words)]],
                    buf0.at[pl.ds(0, tail_words)], gsem0,
                ).wait()
                reduce_rows(buf0, tail_nodes)
                pltpu.sync_copy(buf0.at[pl.ds(0, tail_nodes)],
                                out_hbm.at[pl.ds(n_chunks * _CN, tail_nodes)])

    return body


def kernel(x, neigh_orders):
    B, C, N = x.shape
    nodes = (N + 6) // 4
    d = B * C

    xt = jnp.transpose(x, (2, 0, 1)).reshape(N, d)
    out = _pool_kernel(N, nodes, d)(xt, neigh_orders)
    return jnp.transpose(out.reshape(nodes, B, C), (1, 2, 0))

# --- scband reference (transcript-rebuilt; emitter-appended) ---
"""Pipeline reference for scband-pool-layer-batch-17557826306185 (READ-ONLY COPY).

The authoritative reference and input builder live on the scoring server;
editing this copy changes nothing except your own understanding.
"""

import jax, jax.numpy as jnp
import numpy as np


def setup_inputs(seed: int = 0) -> dict:
    key = jax.random.key(seed)
    k1, k2 = jax.random.split(key)
    B, C, N = 8, 128, 40962
    number_nodes = (N + 6) // 4  # 10242
    x = jax.random.normal(k1, (B, C, N), dtype=jnp.float32)
    neigh_orders = jax.random.randint(k2, (number_nodes * 7,), 0, N, dtype=jnp.int32)
    return {"x": x, "neigh_orders": neigh_orders}


def reference(x, neigh_orders):
    # Faithful translation of pool_layer_batch.forward with pool_type='mean'.
    B, C, N = x.shape
    number_nodes = (N + 6) // 4
    # gather the 7-neighborhood (node itself + 6 neighbors) for each coarse node
    gathered = jnp.take(x, neigh_orders[: number_nodes * 7], axis=2)
    gathered = gathered.reshape(B, C, number_nodes, 7)
    out = jnp.mean(gathered, axis=3)
    return out

if __name__ == "__main__":
    import jax
    _d = setup_inputs()
    print(jax.jit(kernel)(*tuple(_d.values())))

</pallas_src>

<mosaic_0001>
#map = affine_map<(d0, d1) -> (0, 0)>
#map1 = affine_map<(d0, d1) -> (0)>
module attributes {stable_mosaic.version = 14 : i64} {
  func.func @body(%arg0: i32, %arg1: i32, %arg2: memref<40962x1024xf32, #tpu.memory_space<hbm>>, %arg3: memref<71694xi32, #tpu.memory_space<hbm>>, %arg4: memref<10242x1024xf32, #tpu.memory_space<hbm>>, %arg5: memref<56x1024xf32, #tpu.memory_space<vmem>>, %arg6: memref<56x1024xf32, #tpu.memory_space<vmem>>, %arg7: memref<2240xi32, #tpu.memory_space<vmem>>, %arg8: memref<!tpu.dma_semaphore, #tpu.memory_space<semaphore_mem>>, %arg9: memref<!tpu.dma_semaphore, #tpu.memory_space<semaphore_mem>>, %arg10: memref<!tpu.dma_semaphore, #tpu.memory_space<semaphore_mem>>, %arg11: memref<!tpu.dma_semaphore, #tpu.memory_space<semaphore_mem>>) attributes {dimension_semantics = [#tpu.dimension_semantics<core_parallel>, #tpu.dimension_semantics<subcore_parallel>], iteration_bounds = array<i64: 2, 16>, scalar_prefetch = 0 : i64, scratch_operands = 7 : i64, tpu.core_type = #tpu.core_type<sc_vector_subcore>, window_params = [{transform_indices = #map}, {transform_indices = #map1}, {transform_indices = #map}]} {
    %mul3A = arith.constant 2 : i32
    %mul3A_0 = arith.muli %arg1, %mul3A : i32
    %add3A = arith.addi %mul3A_0, %arg0 : i32
    %mul3A_1 = arith.constant 40 : i32
    %mul3A_2 = arith.muli %add3A, %mul3A_1 : i32
    %mul3A_3 = arith.constant 2240 : i32
    %mul3A_4 = arith.muli %add3A, %mul3A_3 : i32
    "tpu.region"() ({
      %run_scoped3A = tpu.sem_alloc : memref<!tpu.dma_semaphore, #tpu.memory_space<semaphore_mem>>
      %dma_start3A_52 = tpu.memref_slice %arg3[%mul3A_4] : memref<71694xi32, #tpu.memory_space<hbm>> -> memref<2240xi32, #tpu.memory_space<hbm>>
      %dma_start3A_53 = tpu.memref_slice %arg3[%mul3A_4] : memref<71694xi32, #tpu.memory_space<hbm>> -> memref<2240xi32, #tpu.memory_space<hbm>>
      tpu.enqueue_dma source(%dma_start3A_53 : memref<2240xi32, #tpu.memory_space<hbm>>) target(%arg7 : memref<2240xi32, #tpu.memory_space<vmem>>) target_semaphore(%run_scoped3A : memref<!tpu.dma_semaphore, #tpu.memory_space<semaphore_mem>>)
      %dma_wait3A_54 = tpu.memref_slice %arg3[%mul3A_4] : memref<71694xi32, #tpu.memory_space<hbm>> -> memref<2240xi32, #tpu.memory_space<hbm>>
      %dma_wait3A_55 = tpu.memref_slice %arg3[%mul3A_4] : memref<71694xi32, #tpu.memory_space<hbm>> -> memref<2240xi32, #tpu.memory_space<hbm>>
      tpu.wait_dma2 semaphore(%run_scoped3A : memref<!tpu.dma_semaphore, #tpu.memory_space<semaphore_mem>>) src(%dma_wait3A_55 : memref<2240xi32, #tpu.memory_space<hbm>>) dst(%arg7 : memref<2240xi32, #tpu.memory_space<vmem>>)
      tpu.yield
    }) : () -> ()
    %dma_start3A = arith.constant 0 : i32
    %dma_start3A_5 = arith.constant 0 : i32
    %dma_start3A_6 = tpu.memref_slice %arg5[%dma_start3A, %dma_start3A_5] : memref<56x1024xf32, #tpu.memory_space<vmem>> -> memref<32x1024xf32, #tpu.memory_space<vmem>>
    %dma_start3A_7 = arith.constant 0 : i32
    %dma_start3A_8 = tpu.memref_slice %arg7[%dma_start3A_7] : memref<2240xi32, #tpu.memory_space<vmem>> -> memref<32xi32, #tpu.memory_space<vmem>>
    %dma_start3A_9 = arith.constant 0 : i32
    %dma_start3A_10 = arith.constant 0 : i32
    %dma_start3A_11 = tpu.memref_slice %arg2[%dma_start3A_9, %dma_start3A_10] : memref<40962x1024xf32, #tpu.memory_space<hbm>> -> memref<40962x1024xf32, #tpu.memory_space<hbm>>
    tpu.enqueue_indirect_dma source(%dma_start3A_11 : memref<40962x1024xf32, #tpu.memory_space<hbm>>) target(%dma_start3A_6 : memref<32x1024xf32, #tpu.memory_space<vmem>>) offsets(%dma_start3A_8 : memref<32xi32, #tpu.memory_space<vmem>>) semaphore(%arg8 : memref<!tpu.dma_semaphore, #tpu.memory_space<semaphore_mem>>)
    %dma_start3A_12 = arith.constant 32 : i32
    %dma_start3A_13 = arith.constant 0 : i32
    %dma_start3A_14 = tpu.memref_slice %arg5[%dma_start3A_12, %dma_start3A_13] : memref<56x1024xf32, #tpu.memory_space<vmem>> -> memref<24x1024xf32, #tpu.memory_space<vmem>>
    %dma_start3A_15 = arith.constant 32 : i32
    %dma_start3A_16 = tpu.memref_slice %arg7[%dma_start3A_15] : memref<2240xi32, #tpu.memory_space<vmem>> -> memref<24xi32, #tpu.memory_space<vmem>>
    %dma_start3A_17 = arith.constant 0 : i32
    %dma_start3A_18 = arith.constant 0 : i32
    %dma_start3A_19 = tpu.memref_slice %arg2[%dma_start3A_17, %dma_start3A_18] : memref<40962x1024xf32, #tpu.memory_space<hbm>> -> memref<40962x1024xf32, #tpu.memory_space<hbm>>
    tpu.enqueue_indirect_dma source(%dma_start3A_19 : memref<40962x1024xf32, #tpu.memory_space<hbm>>) target(%dma_start3A_14 : memref<24x1024xf32, #tpu.memory_space<vmem>>) offsets(%dma_start3A_16 : memref<24xi32, #tpu.memory_space<vmem>>) semaphore(%arg8 : memref<!tpu.dma_semaphore, #tpu.memory_space<semaphore_mem>>)
    %scan3A = arith.constant 0 : i32
    %scan3A_20 = arith.constant 0.142857149 : f32
    %scan3A_21 = arith.constant 0 : i32
    %scan3A_22 = arith.constant 20 : i32
    %scan3A_23 = arith.addi %scan3A_21, %scan3A_22 : i32
    %scan3A_24 = arith.constant 1 : i32
    scf.for %scan3A_52 = %scan3A_21 to %scan3A_23 step %scan3A_24  : i32 {
      %mul3A_53 = arith.constant 2 : i32
      %mul3A_54 = arith.muli %scan3A_52, %mul3A_53 : i32
      %add3A_55 = arith.constant 0 : i32
      %add3A_56 = arith.addi %mul3A_54, %add3A_55 : i32
      %add3A_57 = arith.constant 1 : i32
      %add3A_58 = arith.addi %add3A_56, %add3A_57 : i32
      %lt3A = arith.constant 40 : i32
      %lt3A_59 = arith.cmpi slt, %add3A_58, %lt3A : i32
      %convert_element_type3A_60 = arith.extui %lt3A_59 : i1 to i32
      %cond3A_61 = arith.constant 0 : i32
      %cond3A_62 = arith.cmpi ne, %convert_element_type3A_60, %cond3A_61 : i32
      scf.if %cond3A_62 {
        %ge3A = arith.constant 1 : i32
        %ge3A_152 = arith.cmpi sge, %add3A_56, %ge3A : i32
        %convert_element_type3A_153 = arith.extui %ge3A_152 : i1 to i32
        %cond3A_154 = arith.constant 0 : i32
        %cond3A_155 = arith.cmpi ne, %convert_element_type3A_153, %cond3A_154 : i32
        scf.if %cond3A_155 {
          %add3A_178 = arith.addi %mul3A_2, %add3A_56 : i32
          %mul3A_179 = arith.constant 8 : i32
          %mul3A_180 = arith.muli %add3A_178, %mul3A_179 : i32
          %dma_wait3A_181 = arith.constant 0 : i32
          %dma_wait3A_182 = arith.constant 0 : i32
          %dma_wait3A_183 = tpu.memref_slice %arg6[%dma_wait3A_181, %dma_wait3A_182] : memref<56x1024xf32, #tpu.memory_space<vmem>> -> memref<8x1024xf32, #tpu.memory_space<vmem>>
          %dma_wait3A_184 = arith.constant 0 : i32
          %dma_wait3A_185 = tpu.memref_slice %arg4[%mul3A_180, %dma_wait3A_184] : memref<10242x1024xf32, #tpu.memory_space<hbm>> -> memref<8x1024xf32, #tpu.memory_space<hbm>>
          %dma_wait3A_186 = arith.constant 0 : i32
          %dma_wait3A_187 = tpu.memref_slice %arg4[%mul3A_180, %dma_wait3A_186] : memref<10242x1024xf32, #tpu.memory_space<hbm>> -> memref<8x1024xf32, #tpu.memory_space<hbm>>
          %dma_wait3A_188 = arith.constant 0 : i32
          %dma_wait3A_189 = arith.constant 0 : i32
          %dma_wait3A_190 = tpu.memref_slice %arg6[%dma_wait3A_188, %dma_wait3A_189] : memref<56x1024xf32, #tpu.memory_space<vmem>> -> memref<8x1024xf32, #tpu.memory_space<vmem>>
          tpu.wait_dma2 semaphore(%arg11 : memref<!tpu.dma_semaphore, #tpu.memory_space<semaphore_mem>>) src(%dma_wait3A_190 : memref<8x1024xf32, #tpu.memory_space<vmem>>) dst(%dma_wait3A_187 : memref<8x1024xf32, #tpu.memory_space<hbm>>)
        } else {
        }
        %add3A_156 = arith.constant 1 : i32
        %add3A_157 = arith.addi %add3A_56, %add3A_156 : i32
        %mul3A_158 = arith.constant 56 : i32
        %mul3A_159 = arith.muli %add3A_157, %mul3A_158 : i32
        %dma_start3A_160 = arith.constant 0 : i32
        %dma_start3A_161 = arith.constant 0 : i32
        %dma_start3A_162 = tpu.memref_slice %arg6[%dma_start3A_160, %dma_start3A_161] : memref<56x1024xf32, #tpu.memory_space<vmem>> -> memref<32x1024xf32, #tpu.memory_space<vmem>>
        %dma_start3A_163 = tpu.memref_slice %arg7[%mul3A_159] : memref<2240xi32, #tpu.memory_space<vmem>> -> memref<32xi32, #tpu.memory_space<vmem>>
        %dma_start3A_164 = arith.constant 0 : i32
        %dma_start3A_165 = arith.constant 0 : i32
        %dma_start3A_166 = tpu.memref_slice %arg2[%dma_start3A_164, %dma_start3A_165] : memref<40962x1024xf32, #tpu.memory_space<hbm>> -> memref<40962x1024xf32, #tpu.memory_space<hbm>>
        tpu.enqueue_indirect_dma source(%dma_start3A_166 : memref<40962x1024xf32, #tpu.memory_space<hbm>>) target(%dma_start3A_162 : memref<32x1024xf32, #tpu.memory_space<vmem>>) offsets(%dma_start3A_163 : memref<32xi32, #tpu.memory_space<vmem>>) semaphore(%arg9 : memref<!tpu.dma_semaphore, #tpu.memory_space<semaphore_mem>>)
        %mul3A_167 = arith.constant 56 : i32
        %mul3A_168 = arith.muli %add3A_157, %mul3A_167 : i32
        %add3A_169 = arith.constant 32 : i32
        %add3A_170 = arith.addi %mul3A_168, %add3A_169 : i32
        %dma_start3A_171 = arith.constant 32 : i32
        %dma_start3A_172 = arith.constant 0 : i32
        %dma_start3A_173 = tpu.memref_slice %arg6[%dma_start3A_171, %dma_start3A_172] : memref<56x1024xf32, #tpu.memory_space<vmem>> -> memref<24x1024xf32, #tpu.memory_space<vmem>>
        %dma_start3A_174 = tpu.memref_slice %arg7[%add3A_170] : memref<2240xi32, #tpu.memory_space<vmem>> -> memref<24xi32, #tpu.memory_space<vmem>>
        %dma_start3A_175 = arith.constant 0 : i32
        %dma_start3A_176 = arith.constant 0 : i32
        %dma_start3A_177 = tpu.memref_slice %arg2[%dma_start3A_175, %dma_start3A_176] : memref<40962x1024xf32, #tpu.memory_space<hbm>> -> memref<40962x1024xf32, #tpu.memory_space<hbm>>
        tpu.enqueue_indirect_dma source(%dma_start3A_177 : memref<40962x1024xf32, #tpu.memory_space<hbm>>) target(%dma_start3A_173 : memref<24x1024xf32, #tpu.memory_space<vmem>>) offsets(%dma_start3A_174 : memref<24xi32, #tpu.memory_space<vmem>>) semaphore(%arg9 : memref<!tpu.dma_semaphore, #tpu.memory_space<semaphore_mem>>)
      } else {
      }
      %mul3A_63 = arith.constant 56 : i32
      %mul3A_64 = arith.muli %add3A_56, %mul3A_63 : i32
      %dma_wait3A_65 = arith.constant 0 : i32
      %dma_wait3A_66 = arith.constant 0 : i32
      %dma_wait3A_67 = tpu.memref_slice %arg5[%dma_wait3A_65, %dma_wait3A_66] : memref<56x1024xf32, #tpu.memory_space<vmem>> -> memref<32x1024xf32, #tpu.memory_space<vmem>>
      %dma_wait3A_68 = tpu.memref_slice %arg7[%mul3A_64] : memref<2240xi32, #tpu.memory_space<vmem>> -> memref<32xi32, #tpu.memory_space<vmem>>
      %dma_wait3A_69 = arith.constant 0 : i32
      %dma_wait3A_70 = arith.constant 0 : i32
      %dma_wait3A_71 = tpu.memref_slice %arg2[%dma_wait3A_69, %dma_wait3A_70] : memref<40962x1024xf32, #tpu.memory_space<hbm>> -> memref<40962x1024xf32, #tpu.memory_space<hbm>>
      tpu.wait_indirect_dma semaphore(%arg8 : memref<!tpu.dma_semaphore, #tpu.memory_space<semaphore_mem>>) src(%dma_wait3A_71 : memref<40962x1024xf32, #tpu.memory_space<hbm>>) dst(%dma_wait3A_67 : memref<32x1024xf32, #tpu.memory_space<vmem>>)
      %mul3A_72 = arith.constant 56 : i32
      %mul3A_73 = arith.muli %add3A_56, %mul3A_72 : i32
      %add3A_74 = arith.constant 32 : i32
      %add3A_75 = arith.addi %mul3A_73, %add3A_74 : i32
      %dma_wait3A_76 = arith.constant 32 : i32
      %dma_wait3A_77 = arith.constant 0 : i32
      %dma_wait3A_78 = tpu.memref_slice %arg5[%dma_wait3A_76, %dma_wait3A_77] : memref<56x1024xf32, #tpu.memory_space<vmem>> -> memref<24x1024xf32, #tpu.memory_space<vmem>>
      %dma_wait3A_79 = tpu.memref_slice %arg7[%add3A_75] : memref<2240xi32, #tpu.memory_space<vmem>> -> memref<24xi32, #tpu.memory_space<vmem>>
      %dma_wait3A_80 = arith.constant 0 : i32
      %dma_wait3A_81 = arith.constant 0 : i32
      %dma_wait3A_82 = tpu.memref_slice %arg2[%dma_wait3A_80, %dma_wait3A_81] : memref<40962x1024xf32, #tpu.memory_space<hbm>> -> memref<40962x1024xf32, #tpu.memory_space<hbm>>
      tpu.wait_indirect_dma semaphore(%arg8 : memref<!tpu.dma_semaphore, #tpu.memory_space<semaphore_mem>>) src(%dma_wait3A_82 : memref<40962x1024xf32, #tpu.memory_space<hbm>>) dst(%dma_wait3A_78 : memref<24x1024xf32, #tpu.memory_space<vmem>>)
      %scan3A_83 = arith.constant 0 : i32
      %scan3A_84 = arith.constant 0 : i32
      %scan3A_85 = arith.constant 64 : i32
      %scan3A_86 = arith.addi %scan3A_84, %scan3A_85 : i32
      %scan3A_87 = arith.constant 1 : i32
      scf.for %scan3A_152 = %scan3A_84 to %scan3A_86 step %scan3A_87  : i32 {
        %mul3A_153 = arith.constant 16 : i32
        %mul3A_154 = arith.muli %scan3A_152, %mul3A_153 : i32
        %get3A = arith.constant 0 : i32
        %get3A_155 = arith.index_cast %get3A : i32 to index
        %get3A_156 = arith.index_cast %mul3A_154 : i32 to index
        %get3A_157 = tpu.vector_load %arg5[%get3A_155, %get3A_156] {strides = array<i32>} : memref<56x1024xf32, #tpu.memory_space<vmem>>, vector<16xf32>,
        %get3A_158 = arith.constant 1 : i32
        %get3A_159 = arith.index_cast %get3A_158 : i32 to index
        %get3A_160 = arith.index_cast %mul3A_154 : i32 to index
        %get3A_161 = tpu.vector_load %arg5[%get3A_159, %get3A_160] {strides = array<i32>} : memref<56x1024xf32, #tpu.memory_space<vmem>>, vector<16xf32>,
        %add3A_162 = arith.addf %get3A_157, %get3A_161 : vector<16xf32>
        %get3A_163 = arith.constant 2 : i32
        %get3A_164 = arith.index_cast %get3A_163 : i32 to index
        %get3A_165 = arith.index_cast %mul3A_154 : i32 to index
        %get3A_166 = tpu.vector_load %arg5[%get3A_164, %get3A_165] {strides = array<i32>} : memref<56x1024xf32, #tpu.memory_space<vmem>>, vector<16xf32>,
        %add3A_167 = arith.addf %add3A_162, %get3A_166 : vector<16xf32>
        %get3A_168 = arith.constant 3 : i32
        %get3A_169 = arith.index_cast %get3A_168 : i32 to index
        %get3A_170 = arith.index_cast %mul3A_154 : i32 to index
        %get3A_171 = tpu.vector_load %arg5[%get3A_169, %get3A_170] {strides = array<i32>} : memref<56x1024xf32, #tpu.memory_space<vmem>>, vector<16xf32>,
        %add3A_172 = arith.addf %add3A_167, %get3A_171 : vector<16xf32>
        %get3A_173 = arith.constant 4 : i32
        %get3A_174 = arith.index_cast %get3A_173 : i32 to index
        %get3A_175 = arith.index_cast %mul3A_154 : i32 to index
        %get3A_176 = tpu.vector_load %arg5[%get3A_174, %get3A_175] {strides = array<i32>} : memref<56x1024xf32, #tpu.memory_space<vmem>>, vector<16xf32>,
        %add3A_177 = arith.addf %add3A_172, %get3A_176 : vector<16xf32>
        %get3A_178 = arith.constant 5 : i32
        %get3A_179 = arith.index_cast %get3A_178 : i32 to index
        %get3A_180 = arith.index_cast %mul3A_154 : i32 to index
        %get3A_181 = tpu.vector_load %arg5[%get3A_179, %get3A_180] {strides = array<i32>} : memref<56x1024xf32, #tpu.memory_space<vmem>>, vector<16xf32>,
        %add3A_182 = arith.addf %add3A_177, %get3A_181 : vector<16xf32>
        %get3A_183 = arith.constant 6 : i32
        %get3A_184 = arith.index_cast %get3A_183 : i32 to index
        %get3A_185 = arith.index_cast %mul3A_154 : i32 to index
        %get3A_186 = tpu.vector_load %arg5[%get3A_184, %get3A_185] {strides = array<i32>} : memref<56x1024xf32, #tpu.memory_space<vmem>>, vector<16xf32>,
        %add3A_187 = arith.addf %add3A_182, %get3A_186 : vector<16xf32>
        %mul3A_188 = vector.broadcast %scan3A_20 : f32 to vector<16xf32>
        %mul3A_189 = arith.mulf %add3A_187, %mul3A_188 : vector<16xf32>
        %swap3A = arith.constant 0 : i32
        %swap3A_190 = arith.index_cast %swap3A : i32 to index
        %swap3A_191 = arith.index_cast %mul3A_154 : i32 to index
        %swap3A_192 = tpu.vector_load %arg5[%swap3A_190, %swap3A_191] {strides = array<i32>} : memref<56x1024xf32, #tpu.memory_space<vmem>>, vector<16xf32>,
        tpu.vector_store %arg5[%swap3A_190, %swap3A_191], %mul3A_189 {strides = array<i32>} : memref<56x1024xf32, #tpu.memory_space<vmem>>, vector<16xf32>,
        %get3A_193 = arith.constant 7 : i32
        %get3A_194 = arith.index_cast %get3A_193 : i32 to index
        %get3A_195 = arith.index_cast %mul3A_154 : i32 to index
        %get3A_196 = tpu.vector_load %arg5[%get3A_194, %get3A_195] {strides = array<i32>} : memref<56x1024xf32, #tpu.memory_space<vmem>>, vector<16xf32>,
        %get3A_197 = arith.constant 8 : i32
        %get3A_198 = arith.index_cast %get3A_197 : i32 to index
        %get3A_199 = arith.index_cast %mul3A_154 : i32 to index
        %get3A_200 = tpu.vector_load %arg5[%get3A_198, %get3A_199] {strides = array<i32>} : memref<56x1024xf32, #tpu.memory_space<vmem>>, vector<16xf32>,
        %add3A_201 = arith.addf %get3A_196, %get3A_200 : vector<16xf32>
        %get3A_202 = arith.constant 9 : i32
        %get3A_203 = arith.index_cast %get3A_202 : i32 to index
        %get3A_204 = arith.index_cast %mul3A_154 : i32 to index
        %get3A_205 = tpu.vector_load %arg5[%get3A_203, %get3A_204] {strides = array<i32>} : memref<56x1024xf32, #tpu.memory_space<vmem>>, vector<16xf32>,
        %add3A_206 = arith.addf %add3A_201, %get3A_205 : vector<16xf32>
        %get3A_207 = arith.constant 10 : i32
        %get3A_208 = arith.index_cast %get3A_207 : i32 to index
        %get3A_209 = arith.index_cast %mul3A_154 : i32 to index
        %get3A_210 = tpu.vector_load %arg5[%get3A_208, %get3A_209] {strides = array<i32>} : memref<56x1024xf32, #tpu.memory_space<vmem>>, vector<16xf32>,
        %add3A_211 = arith.addf %add3A_206, %get3A_210 : vector<16xf32>
        %get3A_212 = arith.constant 11 : i32
        %get3A_213 = arith.index_cast %get3A_212 : i32 to index
        %get3A_214 = arith.index_cast %mul3A_154 : i32 to index
        %get3A_215 = tpu.vector_load %arg5[%get3A_213, %get3A_214] {strides = array<i32>} : memref<56x1024xf32, #tpu.memory_space<vmem>>, vector<16xf32>,
        %add3A_216 = arith.addf %add3A_211, %get3A_215 : vector<16xf32>
        %get3A_217 = arith.constant 12 : i32
        %get3A_218 = arith.index_cast %get3A_217 : i32 to index
        %get3A_219 = arith.index_cast %mul3A_154 : i32 to index
        %get3A_220 = tpu.vector_load %arg5[%get3A_218, %get3A_219] {strides = array<i32>} : memref<56x1024xf32, #tpu.memory_space<vmem>>, vector<16xf32>,
        %add3A_221 = arith.addf %add3A_216, %get3A_220 : vector<16xf32>
        %get3A_222 = arith.constant 13 : i32
        %get3A_223 = arith.index_cast %get3A_222 : i32 to index
        %get3A_224 = arith.index_cast %mul3A_154 : i32 to index
        %get3A_225 = tpu.vector_load %arg5[%get3A_223, %get3A_224] {strides = array<i32>} : memref<56x1024xf32, #tpu.memory_space<vmem>>, vector<16xf32>,
        %add3A_226 = arith.addf %add3A_221, %get3A_225 : vector<16xf32>
        %mul3A_227 = vector.broadcast %scan3A_20 : f32 to vector<16xf32>
        %mul3A_228 = arith.mulf %add3A_226, %mul3A_227 : vector<16xf32>
        %swap3A_229 = arith.constant 1 : i32
        %swap3A_230 = arith.index_cast %swap3A_229 : i32 to index
        %swap3A_231 = arith.index_cast %mul3A_154 : i32 to index
        %swap3A_232 = tpu.vector_load %arg5[%swap3A_230, %swap3A_231] {strides = array<i32>} : memref<56x1024xf32, #tpu.memory_space<vmem>>, vector<16xf32>,
        tpu.vector_store %arg5[%swap3A_230, %swap3A_231], %mul3A_228 {strides = array<i32>} : memref<56x1024xf32, #tpu.memory_space<vmem>>, vector<16xf32>,
        %get3A_233 = arith.constant 14 : i32
        %get3A_234 = arith.index_cast %get3A_233 : i32 to index
        %get3A_235 = arith.index_cast %mul3A_154 : i32 to index
        %get3A_236 = tpu.vector_load %arg5[%get3A_234, %get3A_235] {strides = array<i32>} : memref<56x1024xf32, #tpu.memory_space<vmem>>, vector<16xf32>,
        %get3A_237 = arith.constant 15 : i32
        %get3A_238 = arith.index_cast %get3A_237 : i32 to index
        %get3A_239 = arith.index_cast %mul3A_154 : i32 to index
        %get3A_240 = tpu.vector_load %arg5[%get3A_238, %get3A_239] {strides = array<i32>} : memref<56x1024xf32, #tpu.memory_space<vmem>>, vector<16xf32>,
        %add3A_241 = arith.addf %get3A_236, %get3A_240 : vector<16xf32>
        %get3A_242 = arith.constant 16 : i32
        %get3A_243 = arith.index_cast %get3A_242 : i32 to index
        %get3A_244 = arith.index_cast %mul3A_154 : i32 to index
        %get3A_245 = tpu.vector_load %arg5[%get3A_243, %get3A_244] {strides = array<i32>} : memref<56x1024xf32, #tpu.memory_space<vmem>>, vector<16xf32>,
        %add3A_246 = arith.addf %add3A_241, %get3A_245 : vector<16xf32>
        %get3A_247 = arith.constant 17 : i32
        %get3A_248 = arith.index_cast %get3A_247 : i32 to index
        %get3A_249 = arith.index_cast %mul3A_154 : i32 to index
        %get3A_250 = tpu.vector_load %arg5[%get3A_248, %get3A_249] {strides = array<i32>} : memref<56x1024xf32, #tpu.memory_space<vmem>>, vector<16xf32>,
        %add3A_251 = arith.addf %add3A_246, %get3A_250 : vector<16xf32>
        %get3A_252 = arith.constant 18 : i32
        %get3A_253 = arith.index_cast %get3A_252 : i32 to index
        %get3A_254 = arith.index_cast %mul3A_154 : i32 to index
        %get3A_255 = tpu.vector_load %arg5[%get3A_253, %get3A_254] {strides = array<i32>} : memref<56x1024xf32, #tpu.memory_space<vmem>>, vector<16xf32>,
        %add3A_256 = arith.addf %add3A_251, %get3A_255 : vector<16xf32>
        %get3A_257 = arith.constant 19 : i32
        %get3A_258 = arith.index_cast %get3A_257 : i32 to index
        %get3A_259 = arith.index_cast %mul3A_154 : i32 to index
        %get3A_260 = tpu.vector_load %arg5[%get3A_258, %get3A_259] {strides = array<i32>} : memref<56x1024xf32, #tpu.memory_space<vmem>>, vector<16xf32>,
        %add3A_261 = arith.addf %add3A_256, %get3A_260 : vector<16xf32>
        %get3A_262 = arith.constant 20 : i32
        %get3A_263 = arith.index_cast %get3A_262 : i32 to index
        %get3A_264 = arith.index_cast %mul3A_154 : i32 to index
        %get3A_265 = tpu.vector_load %arg5[%get3A_263, %get3A_264] {strides = array<i32>} : memref<56x1024xf32, #tpu.memory_space<vmem>>, vector<16xf32>,
        %add3A_266 = arith.addf %add3A_261, %get3A_265 : vector<16xf32>
        %mul3A_267 = vector.broadcast %scan3A_20 : f32 to vector<16xf32>
        %mul3A_268 = arith.mulf %add3A_266, %mul3A_267 : vector<16xf32>
        %swap3A_269 = arith.constant 2 : i32
        %swap3A_270 = arith.index_cast %swap3A_269 : i32 to index
        %swap3A_271 = arith.index_cast %mul3A_154 : i32 to index
        %swap3A_272 = tpu.vector_load %arg5[%swap3A_270, %swap3A_271] {strides = array<i32>} : memref<56x1024xf32, #tpu.memory_space<vmem>>, vector<16xf32>,
        tpu.vector_store %arg5[%swap3A_270, %swap3A_271], %mul3A_268 {strides = array<i32>} : memref<56x1024xf32, #tpu.memory_space<vmem>>, vector<16xf32>,
        %get3A_273 = arith.constant 21 : i32
        %get3A_274 = arith.index_cast %get3A_273 : i32 to index
        %get3A_275 = arith.index_cast %mul3A_154 : i32 to index
        %get3A_276 = tpu.vector_load %arg5[%get3A_274, %get3A_275] {strides = array<i32>} : memref<56x1024xf32, #tpu.memory_space<vmem>>, vector<16xf32>,
        %get3A_277 = arith.constant 22 : i32
        %get3A_278 = arith.index_cast %get3A_277 : i32 to index
        %get3A_279 = arith.index_cast %mul3A_154 : i32 to index
        %get3A_280 = tpu.vector_load %arg5[%get3A_278, %get3A_279] {strides = array<i32>} : memref<56x1024xf32, #tpu.memory_space<vmem>>, vector<16xf32>,
        %add3A_281 = arith.addf %get3A_276, %get3A_280 : vector<16xf32>
        %get3A_282 = arith.constant 23 : i32
        %get3A_283 = arith.index_cast %get3A_282 : i32 to index
        %get3A_284 = arith.index_cast %mul3A_154 : i32 to index
        %get3A_285 = tpu.vector_load %arg5[%get3A_283, %get3A_284] {strides = array<i32>} : memref<56x1024xf32, #tpu.memory_space<vmem>>, vector<16xf32>,
        %add3A_286 = arith.addf %add3A_281, %get3A_285 : vector<16xf32>
        %get3A_287 = arith.constant 24 : i32
        %get3A_288 = arith.index_cast %get3A_287 : i32 to index
        %get3A_289 = arith.index_cast %mul3A_154 : i32 to index
        %get3A_290 = tpu.vector_load %arg5[%get3A_288, %get3A_289] {strides = array<i32>} : memref<56x1024xf32, #tpu.memory_space<vmem>>, vector<16xf32>,
        %add3A_291 = arith.addf %add3A_286, %get3A_290 : vector<16xf32>
        %get3A_292 = arith.constant 25 : i32
        %get3A_293 = arith.index_cast %get3A_292 : i32 to index
        %get3A_294 = arith.index_cast %mul3A_154 : i32 to index
        %get3A_295 = tpu.vector_load %arg5[%get3A_293, %get3A_294] {strides = array<i32>} : memref<56x1024xf32, #tpu.memory_space<vmem>>, vector<16xf32>,
        %add3A_296 = arith.addf %add3A_291, %get3A_295 : vector<16xf32>
        %get3A_297 = arith.constant 26 : i32
        %get3A_298 = arith.index_cast %get3A_297 : i32 to index
        %get3A_299 = arith.index_cast %mul3A_154 : i32 to index
        %get3A_300 = tpu.vector_load %arg5[%get3A_298, %get3A_299] {strides = array<i32>} : memref<56x1024xf32, #tpu.memory_space<vmem>>, vector<16xf32>,
        %add3A_301 = arith.addf %add3A_296, %get3A_300 : vector<16xf32>
        %get3A_302 = arith.constant 27 : i32
        %get3A_303 = arith.index_cast %get3A_302 : i32 to index
        %get3A_304 = arith.index_cast %mul3A_154 : i32 to index
        %get3A_305 = tpu.vector_load %arg5[%get3A_303, %get3A_304] {strides = array<i32>} : memref<56x1024xf32, #tpu.memory_space<vmem>>, vector<16xf32>,
        %add3A_306 = arith.addf %add3A_301, %get3A_305 : vector<16xf32>
        %mul3A_307 = vector.broadcast %scan3A_20 : f32 to vector<16xf32>
        %mul3A_308 = arith.mulf %add3A_306, %mul3A_307 : vector<16xf32>
        %swap3A_309 = arith.constant 3 : i32
        %swap3A_310 = arith.index_cast %swap3A_309 : i32 to index
        %swap3A_311 = arith.index_cast %mul3A_154 : i32 to index
        %swap3A_312 = tpu.vector_load %arg5[%swap3A_310, %swap3A_311] {strides = array<i32>} : memref<56x1024xf32, #tpu.memory_space<vmem>>, vector<16xf32>,
        tpu.vector_store %arg5[%swap3A_310, %swap3A_311], %mul3A_308 {strides = array<i32>} : memref<56x1024xf32, #tpu.memory_space<vmem>>, vector<16xf32>,
        %get3A_313 = arith.constant 28 : i32
        %get3A_314 = arith.index_cast %get3A_313 : i32 to index
        %get3A_315 = arith.index_cast %mul3A_154 : i32 to index
        %get3A_316 = tpu.vector_load %arg5[%get3A_314, %get3A_315] {strides = array<i32>} : memref<56x1024xf32, #tpu.memory_space<vmem>>, vector<16xf32>,
        %get3A_317 = arith.constant 29 : i32
        %get3A_318 = arith.index_cast %get3A_317 : i32 to index
        %get3A_319 = arith.index_cast %mul3A_154 : i32 to index
        %get3A_320 = tpu.vector_load %arg5[%get3A_318, %get3A_319] {strides = array<i32>} : memref<56x1024xf32, #tpu.memory_space<vmem>>, vector<16xf32>,
        %add3A_321 = arith.addf %get3A_316, %get3A_320 : vector<16xf32>
        %get3A_322 = arith.constant 30 : i32
        %get3A_323 = arith.index_cast %get3A_322 : i32 to index
        %get3A_324 = arith.index_cast %mul3A_154 : i32 to index
        %get3A_325 = tpu.vector_load %arg5[%get3A_323, %get3A_324] {strides = array<i32>} : memref<56x1024xf32, #tpu.memory_space<vmem>>, vector<16xf32>,
        %add3A_326 = arith.addf %add3A_321, %get3A_325 : vector<16xf32>
        %get3A_327 = arith.constant 31 : i32
        %get3A_328 = arith.index_cast %get3A_327 : i32 to index
        %get3A_329 = arith.index_cast %mul3A_154 : i32 to index
        %get3A_330 = tpu.vector_load %arg5[%get3A_328, %get3A_329] {strides = array<i32>} : memref<56x1024xf32, #tpu.memory_space<vmem>>, vector<16xf32>,
        %add3A_331 = arith.addf %add3A_326, %get3A_330 : vector<16xf32>
        %get3A_332 = arith.constant 32 : i32
        %get3A_333 = arith.index_cast %get3A_332 : i32 to index
        %get3A_334 = arith.index_cast %mul3A_154 : i32 to index
        %get3A_335 = tpu.vector_load %arg5[%get3A_333, %get3A_334] {strides = array<i32>} : memref<56x1024xf32, #tpu.memory_space<vmem>>, vector<16xf32>,
        %add3A_336 = arith.addf %add3A_331, %get3A_335 : vector<16xf32>
        %get3A_337 = arith.constant 33 : i32
        %get3A_338 = arith.index_cast %get3A_337 : i32 to index
        %get3A_339 = arith.index_cast %mul3A_154 : i32 to index
        %get3A_340 = tpu.vector_load %arg5[%get3A_338, %get3A_339] {strides = array<i32>} : memref<56x1024xf32, #tpu.memory_space<vmem>>, vector<16xf32>,
        %add3A_341 = arith.addf %add3A_336, %get3A_340 : vector<16xf32>
        %get3A_342 = arith.constant 34 : i32
        %get3A_343 = arith.index_cast %get3A_342 : i32 to index
        %get3A_344 = arith.index_cast %mul3A_154 : i32 to index
        %get3A_345 = tpu.vector_load %arg5[%get3A_343, %get3A_344] {strides = array<i32>} : memref<56x1024xf32, #tpu.memory_space<vmem>>, vector<16xf32>,
        %add3A_346 = arith.addf %add3A_341, %get3A_345 : vector<16xf32>
        %mul3A_347 = vector.broadcast %scan3A_20 : f32 to vector<16xf32>
        %mul3A_348 = arith.mulf %add3A_346, %mul3A_347 : vector<16xf32>
        %swap3A_349 = arith.constant 4 : i32
        %swap3A_350 = arith.index_cast %swap3A_349 : i32 to index
        %swap3A_351 = arith.index_cast %mul3A_154 : i32 to index
        %swap3A_352 = tpu.vector_load %arg5[%swap3A_350, %swap3A_351] {strides = array<i32>} : memref<56x1024xf32, #tpu.memory_space<vmem>>, vector<16xf32>,
        tpu.vector_store %arg5[%swap3A_350, %swap3A_351], %mul3A_348 {strides = array<i32>} : memref<56x1024xf32, #tpu.memory_space<vmem>>, vector<16xf32>,
        %get3A_353 = arith.constant 35 : i32
        %get3A_354 = arith.index_cast %get3A_353 : i32 to index
        %get3A_355 = arith.index_cast %mul3A_154 : i32 to index
        %get3A_356 = tpu.vector_load %arg5[%get3A_354, %get3A_355] {strides = array<i32>} : memref<56x1024xf32, #tpu.memory_space<vmem>>, vector<16xf32>,
        %get3A_357 = arith.constant 36 : i32
        %get3A_358 = arith.index_cast %get3A_357 : i32 to index
        %get3A_359 = arith.index_cast %mul3A_154 : i32 to index
        %get3A_360 = tpu.vector_load %arg5[%get3A_358, %get3A_359] {strides = array<i32>} : memref<56x1024xf32, #tpu.memory_space<vmem>>, vector<16xf32>,
        %add3A_361 = arith.addf %get3A_356, %get3A_360 : vector<16xf32>
        %get3A_362 = arith.constant 37 : i32
        %get3A_363 = arith.index_cast %get3A_362 : i32 to index
        %get3A_364 = arith.index_cast %mul3A_154 : i32 to index
        %get3A_365 = tpu.vector_load %arg5[%get3A_363, %get3A_364] {strides = array<i32>} : memref<56x1024xf32, #tpu.memory_space<vmem>>, vector<16xf32>,
        %add3A_366 = arith.addf %add3A_361, %get3A_365 : vector<16xf32>
        %get3A_367 = arith.constant 38 : i32
        %get3A_368 = arith.index_cast %get3A_367 : i32 to index
        %get3A_369 = arith.index_cast %mul3A_154 : i32 to index
        %get3A_370 = tpu.vector_load %arg5[%get3A_368, %get3A_369] {strides = array<i32>} : memref<56x1024xf32, #tpu.memory_space<vmem>>, vector<16xf32>,
        %add3A_371 = arith.addf %add3A_366, %get3A_370 : vector<16xf32>
        %get3A_372 = arith.constant 39 : i32
        %get3A_373 = arith.index_cast %get3A_372 : i32 to index
        %get3A_374 = arith.index_cast %mul3A_154 : i32 to index
        %get3A_375 = tpu.vector_load %arg5[%get3A_373, %get3A_374] {strides = array<i32>} : memref<56x1024xf32, #tpu.memory_space<vmem>>, vector<16xf32>,
        %add3A_376 = arith.addf %add3A_371, %get3A_375 : vector<16xf32>
        %get3A_377 = arith.constant 40 : i32
        %get3A_378 = arith.index_cast %get3A_377 : i32 to index
        %get3A_379 = arith.index_cast %mul3A_154 : i32 to index
        %get3A_380 = tpu.vector_load %arg5[%get3A_378, %get3A_379] {strides = array<i32>} : memref<56x1024xf32, #tpu.memory_space<vmem>>, vector<16xf32>,
        %add3A_381 = arith.addf %add3A_376, %get3A_380 : vector<16xf32>
        %get3A_382 = arith.constant 41 : i32
        %get3A_383 = arith.index_cast %get3A_382 : i32 to index
        %get3A_384 = arith.index_cast %mul3A_154 : i32 to index
        %get3A_385 = tpu.vector_load %arg5[%get3A_383, %get3A_384] {strides = array<i32>} : memref<56x1024xf32, #tpu.memory_space<vmem>>, vector<16xf32>,
        %add3A_386 = arith.addf %add3A_381, %get3A_385 : vector<16xf32>
        %mul3A_387 = vector.broadcast %scan3A_20 : f32 to vector<16xf32>
        %mul3A_388 = arith.mulf %add3A_386, %mul3A_387 : vector<16xf32>
        %swap3A_389 = arith.constant 5 : i32
        %swap3A_390 = arith.index_cast %swap3A_389 : i32 to index
        %swap3A_391 = arith.index_cast %mul3A_154 : i32 to index
        %swap3A_392 = tpu.vector_load %arg5[%swap3A_390, %swap3A_391] {strides = array<i32>} : memref<56x1024xf32, #tpu.memory_space<vmem>>, vector<16xf32>,
        tpu.vector_store %arg5[%swap3A_390, %swap3A_391], %mul3A_388 {strides = array<i32>} : memref<56x1024xf32, #tpu.memory_space<vmem>>, vector<16xf32>,
        %get3A_393 = arith.constant 42 : i32
        %get3A_394 = arith.index_cast %get3A_393 : i32 to index
        %get3A_395 = arith.index_cast %mul3A_154 : i32 to index
        %get3A_396 = tpu.vector_load %arg5[%get3A_394, %get3A_395] {strides = array<i32>} : memref<56x1024xf32, #tpu.memory_space<vmem>>, vector<16xf32>,
        %get3A_397 = arith.constant 43 : i32
        %get3A_398 = arith.index_cast %get3A_397 : i32 to index
        %get3A_399 = arith.index_cast %mul3A_154 : i32 to index
        %get3A_400 = tpu.vector_load %arg5[%get3A_398, %get3A_399] {strides = array<i32>} : memref<56x1024xf32, #tpu.memory_space<vmem>>, vector<16xf32>,
        %add3A_401 = arith.addf %get3A_396, %get3A_400 : vector<16xf32>
        %get3A_402 = arith.constant 44 : i32
        %get3A_403 = arith.index_cast %get3A_402 : i32 to index
        %get3A_404 = arith.index_cast %mul3A_154 : i32 to index
        %get3A_405 = tpu.vector_load %arg5[%get3A_403, %get3A_404] {strides = array<i32>} : memref<56x1024xf32, #tpu.memory_space<vmem>>, vector<16xf32>,
        %add3A_406 = arith.addf %add3A_401, %get3A_405 : vector<16xf32>
        %get3A_407 = arith.constant 45 : i32
        %get3A_408 = arith.index_cast %get3A_407 : i32 to index
        %get3A_409 = arith.index_cast %mul3A_154 : i32 to index
        %get3A_410 = tpu.vector_load %arg5[%get3A_408, %get3A_409] {strides = array<i32>} : memref<56x1024xf32, #tpu.memory_space<vmem>>, vector<16xf32>,
        %add3A_411 = arith.addf %add3A_406, %get3A_410 : vector<16xf32>
        %get3A_412 = arith.constant 46 : i32
        %get3A_413 = arith.index_cast %get3A_412 : i32 to index
        %get3A_414 = arith.index_cast %mul3A_154 : i32 to index
        %get3A_415 = tpu.vector_load %arg5[%get3A_413, %get3A_414] {strides = array<i32>} : memref<56x1024xf32, #tpu.memory_space<vmem>>, vector<16xf32>,
        %add3A_416 = arith.addf %add3A_411, %get3A_415 : vector<16xf32>
        %get3A_417 = arith.constant 47 : i32
        %get3A_418 = arith.index_cast %get3A_417 : i32 to index
        %get3A_419 = arith.index_cast %mul3A_154 : i32 to index
        %get3A_420 = tpu.vector_load %arg5[%get3A_418, %get3A_419] {strides = array<i32>} : memref<56x1024xf32, #tpu.memory_space<vmem>>, vector<16xf32>,
        %add3A_421 = arith.addf %add3A_416, %get3A_420 : vector<16xf32>
        %get3A_422 = arith.constant 48 : i32
        %get3A_423 = arith.index_cast %get3A_422 : i32 to index
        %get3A_424 = arith.index_cast %mul3A_154 : i32 to index
        %get3A_425 = tpu.vector_load %arg5[%get3A_423, %get3A_424] {strides = array<i32>} : memref<56x1024xf32, #tpu.memory_space<vmem>>, vector<16xf32>,
        %add3A_426 = arith.addf %add3A_421, %get3A_425 : vector<16xf32>
        %mul3A_427 = vector.broadcast %scan3A_20 : f32 to vector<16xf32>
        %mul3A_428 = arith.mulf %add3A_426, %mul3A_427 : vector<16xf32>
        %swap3A_429 = arith.constant 6 : i32
        %swap3A_430 = arith.index_cast %swap3A_429 : i32 to index
        %swap3A_431 = arith.index_cast %mul3A_154 : i32 to index
        %swap3A_432 = tpu.vector_load %arg5[%swap3A_430, %swap3A_431] {strides = array<i32>} : memref<56x1024xf32, #tpu.memory_space<vmem>>, vector<16xf32>,
        tpu.vector_store %arg5[%swap3A_430, %swap3A_431], %mul3A_428 {strides = array<i32>} : memref<56x1024xf32, #tpu.memory_space<vmem>>, vector<16xf32>,
        %get3A_433 = arith.constant 49 : i32
        %get3A_434 = arith.index_cast %get3A_433 : i32 to index
        %get3A_435 = arith.index_cast %mul3A_154 : i32 to index
        %get3A_436 = tpu.vector_load %arg5[%get3A_434, %get3A_435] {strides = array<i32>} : memref<56x1024xf32, #tpu.memory_space<vmem>>, vector<16xf32>,
        %get3A_437 = arith.constant 50 : i32
        %get3A_438 = arith.index_cast %get3A_437 : i32 to index
        %get3A_439 = arith.index_cast %mul3A_154 : i32 to index
        %get3A_440 = tpu.vector_load %arg5[%get3A_438, %get3A_439] {strides = array<i32>} : memref<56x1024xf32, #tpu.memory_space<vmem>>, vector<16xf32>,
        %add3A_441 = arith.addf %get3A_436, %get3A_440 : vector<16xf32>
        %get3A_442 = arith.constant 51 : i32
        %get3A_443 = arith.index_cast %get3A_442 : i32 to index
        %get3A_444 = arith.index_cast %mul3A_154 : i32 to index
        %get3A_445 = tpu.vector_load %arg5[%get3A_443, %get3A_444] {strides = array<i32>} : memref<56x1024xf32, #tpu.memory_space<vmem>>, vector<16xf32>,
        %add3A_446 = arith.addf %add3A_441, %get3A_445 : vector<16xf32>
        %get3A_447 = arith.constant 52 : i32
        %get3A_448 = arith.index_cast %get3A_447 : i32 to index
        %get3A_449 = arith.index_cast %mul3A_154 : i32 to index
        %get3A_450 = tpu.vector_load %arg5[%get3A_448, %get3A_449] {strides = array<i32>} : memref<56x1024xf32, #tpu.memory_space<vmem>>, vector<16xf32>,
        %add3A_451 = arith.addf %add3A_446, %get3A_450 : vector<16xf32>
        %get3A_452 = arith.constant 53 : i32
        %get3A_453 = arith.index_cast %get3A_452 : i32 to index
        %get3A_454 = arith.index_cast %mul3A_154 : i32 to index
        %get3A_455 = tpu.vector_load %arg5[%get3A_453, %get3A_454] {strides = array<i32>} : memref<56x1024xf32, #tpu.memory_space<vmem>>, vector<16xf32>,
        %add3A_456 = arith.addf %add3A_451, %get3A_455 : vector<16xf32>
        %get3A_457 = arith.constant 54 : i32
        %get3A_458 = arith.index_cast %get3A_457 : i32 to index
        %get3A_459 = arith.index_cast %mul3A_154 : i32 to index
        %get3A_460 = tpu.vector_load %arg5[%get3A_458, %get3A_459] {strides = array<i32>} : memref<56x1024xf32, #tpu.memory_space<vmem>>, vector<16xf32>,
        %add3A_461 = arith.addf %add3A_456, %get3A_460 : vector<16xf32>
        %get3A_462 = arith.constant 55 : i32
        %get3A_463 = arith.index_cast %get3A_462 : i32 to index
        %get3A_464 = arith.index_cast %mul3A_154 : i32 to index
        %get3A_465 = tpu.vector_load %arg5[%get3A_463, %get3A_464] {strides = array<i32>} : memref<56x1024xf32, #tpu.memory_space<vmem>>, vector<16xf32>,
        %add3A_466 = arith.addf %add3A_461, %get3A_465 : vector<16xf32>
        %mul3A_467 = vector.broadcast %scan3A_20 : f32 to vector<16xf32>
        %mul3A_468 = arith.mulf %add3A_466, %mul3A_467 : vector<16xf32>
        %swap3A_469 = arith.constant 7 : i32
        %swap3A_470 = arith.index_cast %swap3A_469 : i32 to index
        %swap3A_471 = arith.index_cast %mul3A_154 : i32 to index
        %swap3A_472 = tpu.vector_load %arg5[%swap3A_470, %swap3A_471] {strides = array<i32>} : memref<56x1024xf32, #tpu.memory_space<vmem>>, vector<16xf32>,
        tpu.vector_store %arg5[%swap3A_470, %swap3A_471], %mul3A_468 {strides = array<i32>} : memref<56x1024xf32, #tpu.memory_space<vmem>>, vector<16xf32>,
      }
      %scan3A_88 = arith.constant 64 : i32
      %add3A_89 = arith.addi %mul3A_2, %add3A_56 : i32
      %mul3A_90 = arith.constant 8 : i32
      %mul3A_91 = arith.muli %add3A_89, %mul3A_90 : i32
      %dma_start3A_92 = arith.constant 0 : i32
      %dma_start3A_93 = arith.constant 0 : i32
      %dma_start3A_94 = tpu.memref_slice %arg5[%dma_start3A_92, %dma_start3A_93] : memref<56x1024xf32, #tpu.memory_space<vmem>> -> memref<8x1024xf32, #tpu.memory_space<vmem>>
      %dma_start3A_95 = arith.constant 0 : i32
      %dma_start3A_96 = tpu.memref_slice %arg4[%mul3A_91, %dma_start3A_95] : memref<10242x1024xf32, #tpu.memory_space<hbm>> -> memref<8x1024xf32, #tpu.memory_space<hbm>>
      %dma_start3A_97 = arith.constant 0 : i32
      %dma_start3A_98 = tpu.memref_slice %arg4[%mul3A_91, %dma_start3A_97] : memref<10242x1024xf32, #tpu.memory_space<hbm>> -> memref<8x1024xf32, #tpu.memory_space<hbm>>
      %dma_start3A_99 = arith.constant 0 : i32
      %dma_start3A_100 = arith.constant 0 : i32
      %dma_start3A_101 = tpu.memref_slice %arg5[%dma_start3A_99, %dma_start3A_100] : memref<56x1024xf32, #tpu.memory_space<vmem>> -> memref<8x1024xf32, #tpu.memory_space<vmem>>
      tpu.enqueue_dma source(%dma_start3A_101 : memref<8x1024xf32, #tpu.memory_space<vmem>>) target(%dma_start3A_98 : memref<8x1024xf32, #tpu.memory_space<hbm>>) target_semaphore(%arg10 : memref<!tpu.dma_semaphore, #tpu.memory_space<semaphore_mem>>)
      %mul3A_102 = arith.constant 2 : i32
      %mul3A_103 = arith.muli %scan3A_52, %mul3A_102 : i32
      %add3A_104 = arith.constant 1 : i32
      %add3A_105 = arith.addi %mul3A_103, %add3A_104 : i32
      %add3A_106 = arith.constant 1 : i32
      %add3A_107 = arith.addi %add3A_105, %add3A_106 : i32
      %lt3A_108 = arith.constant 40 : i32
      %lt3A_109 = arith.cmpi slt, %add3A_107, %lt3A_108 : i32
      %convert_element_type3A_110 = arith.extui %lt3A_109 : i1 to i32
      %cond3A_111 = arith.constant 0 : i32
      %cond3A_112 = arith.cmpi ne, %convert_element_type3A_110, %cond3A_111 : i32
      scf.if %cond3A_112 {
        %ge3A = arith.constant 1 : i32
        %ge3A_152 = arith.cmpi sge, %add3A_105, %ge3A : i32
        %convert_element_type3A_153 = arith.extui %ge3A_152 : i1 to i32
        %cond3A_154 = arith.constant 0 : i32
        %cond3A_155 = arith.cmpi ne, %convert_element_type3A_153, %cond3A_154 : i32
        scf.if %cond3A_155 {
          %add3A_178 = arith.addi %mul3A_2, %add3A_105 : i32
          %mul3A_179 = arith.constant 8 : i32
          %mul3A_180 = arith.muli %add3A_178, %mul3A_179 : i32
          %dma_wait3A_181 = arith.constant 0 : i32
          %dma_wait3A_182 = arith.constant 0 : i32
          %dma_wait3A_183 = tpu.memref_slice %arg5[%dma_wait3A_181, %dma_wait3A_182] : memref<56x1024xf32, #tpu.memory_space<vmem>> -> memref<8x1024xf32, #tpu.memory_space<vmem>>
          %dma_wait3A_184 = arith.constant 0 : i32
          %dma_wait3A_185 = tpu.memref_slice %arg4[%mul3A_180, %dma_wait3A_184] : memref<10242x1024xf32, #tpu.memory_space<hbm>> -> memref<8x1024xf32, #tpu.memory_space<hbm>>
          %dma_wait3A_186 = arith.constant 0 : i32
          %dma_wait3A_187 = tpu.memref_slice %arg4[%mul3A_180, %dma_wait3A_186] : memref<10242x1024xf32, #tpu.memory_space<hbm>> -> memref<8x1024xf32, #tpu.memory_space<hbm>>
          %dma_wait3A_188 = arith.constant 0 : i32
          %dma_wait3A_189 = arith.constant 0 : i32
          %dma_wait3A_190 = tpu.memref_slice %arg5[%dma_wait3A_188, %dma_wait3A_189] : memref<56x1024xf32, #tpu.memory_space<vmem>> -> memref<8x1024xf32, #tpu.memory_space<vmem>>
          tpu.wait_dma2 semaphore(%arg10 : memref<!tpu.dma_semaphore, #tpu.memory_space<semaphore_mem>>) src(%dma_wait3A_190 : memref<8x1024xf32, #tpu.memory_space<vmem>>) dst(%dma_wait3A_187 : memref<8x1024xf32, #tpu.memory_space<hbm>>)
        } else {
        }
        %add3A_156 = arith.constant 1 : i32
        %add3A_157 = arith.addi %add3A_105, %add3A_156 : i32
        %mul3A_158 = arith.constant 56 : i32
        %mul3A_159 = arith.muli %add3A_157, %mul3A_158 : i32
        %dma_start3A_160 = arith.constant 0 : i32
        %dma_start3A_161 = arith.constant 0 : i32
        %dma_start3A_162 = tpu.memref_slice %arg5[%dma_start3A_160, %dma_start3A_161] : memref<56x1024xf32, #tpu.memory_space<vmem>> -> memref<32x1024xf32, #tpu.memory_space<vmem>>
        %dma_start3A_163 = tpu.memref_slice %arg7[%mul3A_159] : memref<2240xi32, #tpu.memory_space<vmem>> -> memref<32xi32, #tpu.memory_space<vmem>>
        %dma_start3A_164 = arith.constant 0 : i32
        %dma_start3A_165 = arith.constant 0 : i32
        %dma_start3A_166 = tpu.memref_slice %arg2[%dma_start3A_164, %dma_start3A_165] : memref<40962x1024xf32, #tpu.memory_space<hbm>> -> memref<40962x1024xf32, #tpu.memory_space<hbm>>
        tpu.enqueue_indirect_dma source(%dma_start3A_166 : memref<40962x1024xf32, #tpu.memory_space<hbm>>) target(%dma_start3A_162 : memref<32x1024xf32, #tpu.memory_space<vmem>>) offsets(%dma_start3A_163 : memref<32xi32, #tpu.memory_space<vmem>>) semaphore(%arg8 : memref<!tpu.dma_semaphore, #tpu.memory_space<semaphore_mem>>)
        %mul3A_167 = arith.constant 56 : i32
        %mul3A_168 = arith.muli %add3A_157, %mul3A_167 : i32
        %add3A_169 = arith.constant 32 : i32
        %add3A_170 = arith.addi %mul3A_168, %add3A_169 : i32
        %dma_start3A_171 = arith.constant 32 : i32
        %dma_start3A_172 = arith.constant 0 : i32
        %dma_start3A_173 = tpu.memref_slice %arg5[%dma_start3A_171, %dma_start3A_172] : memref<56x1024xf32, #tpu.memory_space<vmem>> -> memref<24x1024xf32, #tpu.memory_space<vmem>>
        %dma_start3A_174 = tpu.memref_slice %arg7[%add3A_170] : memref<2240xi32, #tpu.memory_space<vmem>> -> memref<24xi32, #tpu.memory_space<vmem>>
        %dma_start3A_175 = arith.constant 0 : i32
        %dma_start3A_176 = arith.constant 0 : i32
        %dma_start3A_177 = tpu.memref_slice %arg2[%dma_start3A_175, %dma_start3A_176] : memref<40962x1024xf32, #tpu.memory_space<hbm>> -> memref<40962x1024xf32, #tpu.memory_space<hbm>>
        tpu.enqueue_indirect_dma source(%dma_start3A_177 : memref<40962x1024xf32, #tpu.memory_space<hbm>>) target(%dma_start3A_173 : memref<24x1024xf32, #tpu.memory_space<vmem>>) offsets(%dma_start3A_174 : memref<24xi32, #tpu.memory_space<vmem>>) semaphore(%arg8 : memref<!tpu.dma_semaphore, #tpu.memory_space<semaphore_mem>>)
      } else {
      }
      %mul3A_113 = arith.constant 56 : i32
      %mul3A_114 = arith.muli %add3A_105, %mul3A_113 : i32
      %dma_wait3A_115 = arith.constant 0 : i32
      %dma_wait3A_116 = arith.constant 0 : i32
      %dma_wait3A_117 = tpu.memref_slice %arg6[%dma_wait3A_115, %dma_wait3A_116] : memref<56x1024xf32, #tpu.memory_space<vmem>> -> memref<32x1024xf32, #tpu.memory_space<vmem>>
      %dma_wait3A_118 = tpu.memref_slice %arg7[%mul3A_114] : memref<2240xi32, #tpu.memory_space<vmem>> -> memref<32xi32, #tpu.memory_space<vmem>>
      %dma_wait3A_119 = arith.constant 0 : i32
      %dma_wait3A_120 = arith.constant 0 : i32
      %dma_wait3A_121 = tpu.memref_slice %arg2[%dma_wait3A_119, %dma_wait3A_120] : memref<40962x1024xf32, #tpu.memory_space<hbm>> -> memref<40962x1024xf32, #tpu.memory_space<hbm>>
      tpu.wait_indirect_dma semaphore(%arg9 : memref<!tpu.dma_semaphore, #tpu.memory_space<semaphore_mem>>) src(%dma_wait3A_121 : memref<40962x1024xf32, #tpu.memory_space<hbm>>) dst(%dma_wait3A_117 : memref<32x1024xf32, #tpu.memory_space<vmem>>)
      %mul3A_122 = arith.constant 56 : i32
      %mul3A_123 = arith.muli %add3A_105, %mul3A_122 : i32
      %add3A_124 = arith.constant 32 : i32
      %add3A_125 = arith.addi %mul3A_123, %add3A_124 : i32
      %dma_wait3A_126 = arith.constant 32 : i32
      %dma_wait3A_127 = arith.constant 0 : i32
      %dma_wait3A_128 = tpu.memref_slice %arg6[%dma_wait3A_126, %dma_wait3A_127] : memref<56x1024xf32, #tpu.memory_space<vmem>> -> memref<24x1024xf32, #tpu.memory_space<vmem>>
      %dma_wait3A_129 = tpu.memref_slice %arg7[%add3A_125] : memref<2240xi32, #tpu.memory_space<vmem>> -> memref<24xi32, #tpu.memory_space<vmem>>
      %dma_wait3A_130 = arith.constant 0 : i32
      %dma_wait3A_131 = arith.constant 0 : i32
      %dma_wait3A_132 = tpu.memref_slice %arg2[%dma_wait3A_130, %dma_wait3A_131] : memref<40962x1024xf32, #tpu.memory_space<hbm>> -> memref<40962x1024xf32, #tpu.memory_space<hbm>>
      tpu.wait_indirect_dma semaphore(%arg9 : memref<!tpu.dma_semaphore, #tpu.memory_space<semaphore_mem>>) src(%dma_wait3A_132 : memref<40962x1024xf32, #tpu.memory_space<hbm>>) dst(%dma_wait3A_128 : memref<24x1024xf32, #tpu.memory_space<vmem>>)
      %scan3A_133 = arith.constant 0 : i32
      %scan3A_134 = arith.constant 0 : i32
      %scan3A_135 = arith.constant 64 : i32
      %scan3A_136 = arith.addi %scan3A_134, %scan3A_135 : i32
      %scan3A_137 = arith.constant 1 : i32
      scf.for %scan3A_152 = %scan3A_134 to %scan3A_136 step %scan3A_137  : i32 {
        %mul3A_153 = arith.constant 16 : i32
        %mul3A_154 = arith.muli %scan3A_152, %mul3A_153 : i32
        %get3A = arith.constant 0 : i32
        %get3A_155 = arith.index_cast %get3A : i32 to index
        %get3A_156 = arith.index_cast %mul3A_154 : i32 to index
        %get3A_157 = tpu.vector_load %arg6[%get3A_155, %get3A_156] {strides = array<i32>} : memref<56x1024xf32, #tpu.memory_space<vmem>>, vector<16xf32>,
        %get3A_158 = arith.constant 1 : i32
        %get3A_159 = arith.index_cast %get3A_158 : i32 to index
        %get3A_160 = arith.index_cast %mul3A_154 : i32 to index
        %get3A_161 = tpu.vector_load %arg6[%get3A_159, %get3A_160] {strides = array<i32>} : memref<56x1024xf32, #tpu.memory_space<vmem>>, vector<16xf32>,
        %add3A_162 = arith.addf %get3A_157, %get3A_161 : vector<16xf32>
        %get3A_163 = arith.constant 2 : i32
        %get3A_164 = arith.index_cast %get3A_163 : i32 to index
        %get3A_165 = arith.index_cast %mul3A_154 : i32 to index
        %get3A_166 = tpu.vector_load %arg6[%get3A_164, %get3A_165] {strides = array<i32>} : memref<56x1024xf32, #tpu.memory_space<vmem>>, vector<16xf32>,
        %add3A_167 = arith.addf %add3A_162, %get3A_166 : vector<16xf32>
        %get3A_168 = arith.constant 3 : i32
        %get3A_169 = arith.index_cast %get3A_168 : i32 to index
        %get3A_170 = arith.index_cast %mul3A_154 : i32 to index
        %get3A_171 = tpu.vector_load %arg6[%get3A_169, %get3A_170] {strides = array<i32>} : memref<56x1024xf32, #tpu.memory_space<vmem>>, vector<16xf32>,
        %add3A_172 = arith.addf %add3A_167, %get3A_171 : vector<16xf32>
        %get3A_173 = arith.constant 4 : i32
        %get3A_174 = arith.index_cast %get3A_173 : i32 to index
        %get3A_175 = arith.index_cast %mul3A_154 : i32 to index
        %get3A_176 = tpu.vector_load %arg6[%get3A_174, %get3A_175] {strides = array<i32>} : memref<56x1024xf32, #tpu.memory_space<vmem>>, vector<16xf32>,
        %add3A_177 = arith.addf %add3A_172, %get3A_176 : vector<16xf32>
        %get3A_178 = arith.constant 5 : i32
        %get3A_179 = arith.index_cast %get3A_178 : i32 to index
        %get3A_180 = arith.index_cast %mul3A_154 : i32 to index
        %get3A_181 = tpu.vector_load %arg6[%get3A_179, %get3A_180] {strides = array<i32>} : memref<56x1024xf32, #tpu.memory_space<vmem>>, vector<16xf32>,
        %add3A_182 = arith.addf %add3A_177, %get3A_181 : vector<16xf32>
        %get3A_183 = arith.constant 6 : i32
        %get3A_184 = arith.index_cast %get3A_183 : i32 to index
        %get3A_185 = arith.index_cast %mul3A_154 : i32 to index
        %get3A_186 = tpu.vector_load %arg6[%get3A_184, %get3A_185] {strides = array<i32>} : memref<56x1024xf32, #tpu.memory_space<vmem>>, vector<16xf32>,
        %add3A_187 = arith.addf %add3A_182, %get3A_186 : vector<16xf32>
        %mul3A_188 = vector.broadcast %scan3A_20 : f32 to vector<16xf32>
        %mul3A_189 = arith.mulf %add3A_187, %mul3A_188 : vector<16xf32>
        %swap3A = arith.constant 0 : i32
        %swap3A_190 = arith.index_cast %swap3A : i32 to index
        %swap3A_191 = arith.index_cast %mul3A_154 : i32 to index
        %swap3A_192 = tpu.vector_load %arg6[%swap3A_190, %swap3A_191] {strides = array<i32>} : memref<56x1024xf32, #tpu.memory_space<vmem>>, vector<16xf32>,
        tpu.vector_store %arg6[%swap3A_190, %swap3A_191], %mul3A_189 {strides = array<i32>} : memref<56x1024xf32, #tpu.memory_space<vmem>>, vector<16xf32>,
        %get3A_193 = arith.constant 7 : i32
        %get3A_194 = arith.index_cast %get3A_193 : i32 to index
        %get3A_195 = arith.index_cast %mul3A_154 : i32 to index
        %get3A_196 = tpu.vector_load %arg6[%get3A_194, %get3A_195] {strides = array<i32>} : memref<56x1024xf32, #tpu.memory_space<vmem>>, vector<16xf32>,
        %get3A_197 = arith.constant 8 : i32
        %get3A_198 = arith.index_cast %get3A_197 : i32 to index
        %get3A_199 = arith.index_cast %mul3A_154 : i32 to index
        %get3A_200 = tpu.vector_load %arg6[%get3A_198, %get3A_199] {strides = array<i32>} : memref<56x1024xf32, #tpu.memory_space<vmem>>, vector<16xf32>,
        %add3A_201 = arith.addf %get3A_196, %get3A_200 : vector<16xf32>
        %get3A_202 = arith.constant 9 : i32
        %get3A_203 = arith.index_cast %get3A_202 : i32 to index
        %get3A_204 = arith.index_cast %mul3A_154 : i32 to index
        %get3A_205 = tpu.vector_load %arg6[%get3A_203, %get3A_204] {strides = array<i32>} : memref<56x1024xf32, #tpu.memory_space<vmem>>, vector<16xf32>,
        %add3A_206 = arith.addf %add3A_201, %get3A_205 : vector<16xf32>
        %get3A_207 = arith.constant 10 : i32
        %get3A_208 = arith.index_cast %get3A_207 : i32 to index
        %get3A_209 = arith.index_cast %mul3A_154 : i32 to index
        %get3A_210 = tpu.vector_load %arg6[%get3A_208, %get3A_209] {strides = array<i32>} : memref<56x1024xf32, #tpu.memory_space<vmem>>, vector<16xf32>,
        %add3A_211 = arith.addf %add3A_206, %get3A_210 : vector<16xf32>
        %get3A_212 = arith.constant 11 : i32
        %get3A_213 = arith.index_cast %get3A_212 : i32 to index
        %get3A_214 = arith.index_cast %mul3A_154 : i32 to index
        %get3A_215 = tpu.vector_load %arg6[%get3A_213, %get3A_214] {strides = array<i32>} : memref<56x1024xf32, #tpu.memory_space<vmem>>, vector<16xf32>,
        %add3A_216 = arith.addf %add3A_211, %get3A_215 : vector<16xf32>
        %get3A_217 = arith.constant 12 : i32
        %get3A_218 = arith.index_cast %get3A_217 : i32 to index
        %get3A_219 = arith.index_cast %mul3A_154 : i32 to index
        %get3A_220 = tpu.vector_load %arg6[%get3A_218, %get3A_219] {strides = array<i32>} : memref<56x1024xf32, #tpu.memory_space<vmem>>, vector<16xf32>,
        %add3A_221 = arith.addf %add3A_216, %get3A_220 : vector<16xf32>
        %get3A_222 = arith.constant 13 : i32
        %get3A_223 = arith.index_cast %get3A_222 : i32 to index
        %get3A_224 = arith.index_cast %mul3A_154 : i32 to index
        %get3A_225 = tpu.vector_load %arg6[%get3A_223, %get3A_224] {strides = array<i32>} : memref<56x1024xf32, #tpu.memory_space<vmem>>, vector<16xf32>,
        %add3A_226 = arith.addf %add3A_221, %get3A_225 : vector<16xf32>
        %mul3A_227 = vector.broadcast %scan3A_20 : f32 to vector<16xf32>
        %mul3A_228 = arith.mulf %add3A_226, %mul3A_227 : vector<16xf32>
        %swap3A_229 = arith.constant 1 : i32
        %swap3A_230 = arith.index_cast %swap3A_229 : i32 to index
        %swap3A_231 = arith.index_cast %mul3A_154 : i32 to index
        %swap3A_232 = tpu.vector_load %arg6[%swap3A_230, %swap3A_231] {strides = array<i32>} : memref<56x1024xf32, #tpu.memory_space<vmem>>, vector<16xf32>,
        tpu.vector_store %arg6[%swap3A_230, %swap3A_231], %mul3A_228 {strides = array<i32>} : memref<56x1024xf32, #tpu.memory_space<vmem>>, vector<16xf32>,
        %get3A_233 = arith.constant 14 : i32
        %get3A_234 = arith.index_cast %get3A_233 : i32 to index
        %get3A_235 = arith.index_cast %mul3A_154 : i32 to index
        %get3A_236 = tpu.vector_load %arg6[%get3A_234, %get3A_235] {strides = array<i32>} : memref<56x1024xf32, #tpu.memory_space<vmem>>, vector<16xf32>,
        %get3A_237 = arith.constant 15 : i32
        %get3A_238 = arith.index_cast %get3A_237 : i32 to index
        %get3A_239 = arith.index_cast %mul3A_154 : i32 to index
        %get3A_240 = tpu.vector_load %arg6[%get3A_238, %get3A_239] {strides = array<i32>} : memref<56x1024xf32, #tpu.memory_space<vmem>>, vector<16xf32>,
        %add3A_241 = arith.addf %get3A_236, %get3A_240 : vector<16xf32>
        %get3A_242 = arith.constant 16 : i32
        %get3A_243 = arith.index_cast %get3A_242 : i32 to index
        %get3A_244 = arith.index_cast %mul3A_154 : i32 to index
        %get3A_245 = tpu.vector_load %arg6[%get3A_243, %get3A_244] {strides = array<i32>} : memref<56x1024xf32, #tpu.memory_space<vmem>>, vector<16xf32>,
        %add3A_246 = arith.addf %add3A_241, %get3A_245 : vector<16xf32>
        %get3A_247 = arith.constant 17 : i32
        %get3A_248 = arith.index_cast %get3A_247 : i32 to index
        %get3A_249 = arith.index_cast %mul3A_154 : i32 to index
        %get3A_250 = tpu.vector_load %arg6[%get3A_248, %get3A_249] {strides = array<i32>} : memref<56x1024xf32, #tpu.memory_space<vmem>>, vector<16xf32>,
        %add3A_251 = arith.addf %add3A_246, %get3A_250 : vector<16xf32>
        %get3A_252 = arith.constant 18 : i32
        %get3A_253 = arith.index_cast %get3A_252 : i32 to index
        %get3A_254 = arith.index_cast %mul3A_154 : i32 to index
        %get3A_255 = tpu.vector_load %arg6[%get3A_253, %get3A_254] {strides = array<i32>} : memref<56x1024xf32, #tpu.memory_space<vmem>>, vector<16xf32>,
        %add3A_256 = arith.addf %add3A_251, %get3A_255 : vector<16xf32>
        %get3A_257 = arith.constant 19 : i32
        %get3A_258 = arith.index_cast %get3A_257 : i32 to index
        %get3A_259 = arith.index_cast %mul3A_154 : i32 to index
        %get3A_260 = tpu.vector_load %arg6[%get3A_258, %get3A_259] {strides = array<i32>} : memref<56x1024xf32, #tpu.memory_space<vmem>>, vector<16xf32>,
        %add3A_261 = arith.addf %add3A_256, %get3A_260 : vector<16xf32>
        %get3A_262 = arith.constant 20 : i32
        %get3A_263 = arith.index_cast %get3A_262 : i32 to index
        %get3A_264 = arith.index_cast %mul3A_154 : i32 to index
        %get3A_265 = tpu.vector_load %arg6[%get3A_263, %get3A_264] {strides = array<i32>} : memref<56x1024xf32, #tpu.memory_space<vmem>>, vector<16xf32>,
        %add3A_266 = arith.addf %add3A_261, %get3A_265 : vector<16xf32>
        %mul3A_267 = vector.broadcast %scan3A_20 : f32 to vector<16xf32>
        %mul3A_268 = arith.mulf %add3A_266, %mul3A_267 : vector<16xf32>
        %swap3A_269 = arith.constant 2 : i32
        %swap3A_270 = arith.index_cast %swap3A_269 : i32 to index
        %swap3A_271 = arith.index_cast %mul3A_154 : i32 to index
        %swap3A_272 = tpu.vector_load %arg6[%swap3A_270, %swap3A_271] {strides = array<i32>} : memref<56x1024xf32, #tpu.memory_space<vmem>>, vector<16xf32>,
        tpu.vector_store %arg6[%swap3A_270, %swap3A_271], %mul3A_268 {strides = array<i32>} : memref<56x1024xf32, #tpu.memory_space<vmem>>, vector<16xf32>,
        %get3A_273 = arith.constant 21 : i32
        %get3A_274 = arith.index_cast %get3A_273 : i32 to index
        %get3A_275 = arith.index_cast %mul3A_154 : i32 to index
        %get3A_276 = tpu.vector_load %arg6[%get3A_274, %get3A_275] {strides = array<i32>} : memref<56x1024xf32, #tpu.memory_space<vmem>>, vector<16xf32>,
        %get3A_277 = arith.constant 22 : i32
        %get3A_278 = arith.index_cast %get3A_277 : i32 to index
        %get3A_279 = arith.index_cast %mul3A_154 : i32 to index
        %get3A_280 = tpu.vector_load %arg6[%get3A_278, %get3A_279] {strides = array<i32>} : memref<56x1024xf32, #tpu.memory_space<vmem>>, vector<16xf32>,
        %add3A_281 = arith.addf %get3A_276, %get3A_280 : vector<16xf32>
        %get3A_282 = arith.constant 23 : i32
        %get3A_283 = arith.index_cast %get3A_282 : i32 to index
        %get3A_284 = arith.index_cast %mul3A_154 : i32 to index
        %get3A_285 = tpu.vector_load %arg6[%get3A_283, %get3A_284] {strides = array<i32>} : memref<56x1024xf32, #tpu.memory_space<vmem>>, vector<16xf32>,
        %add3A_286 = arith.addf %add3A_281, %get3A_285 : vector<16xf32>
        %get3A_287 = arith.constant 24 : i32
        %get3A_288 = arith.index_cast %get3A_287 : i32 to index
        %get3A_289 = arith.index_cast %mul3A_154 : i32 to index
        %get3A_290 = tpu.vector_load %arg6[%get3A_288, %get3A_289] {strides = array<i32>} : memref<56x1024xf32, #tpu.memory_space<vmem>>, vector<16xf32>,
        %add3A_291 = arith.addf %add3A_286, %get3A_290 : vector<16xf32>
        %get3A_292 = arith.constant 25 : i32
        %get3A_293 = arith.index_cast %get3A_292 : i32 to index
        %get3A_294 = arith.index_cast %mul3A_154 : i32 to index
        %get3A_295 = tpu.vector_load %arg6[%get3A_293, %get3A_294] {strides = array<i32>} : memref<56x1024xf32, #tpu.memory_space<vmem>>, vector<16xf32>,
        %add3A_296 = arith.addf %add3A_291, %get3A_295 : vector<16xf32>
        %get3A_297 = arith.constant 26 : i32
        %get3A_298 = arith.index_cast %get3A_297 : i32 to index
        %get3A_299 = arith.index_cast %mul3A_154 : i32 to index
        %get3A_300 = tpu.vector_load %arg6[%get3A_298, %get3A_299] {strides = array<i32>} : memref<56x1024xf32, #tpu.memory_space<vmem>>, vector<16xf32>,
        %add3A_301 = arith.addf %add3A_296, %get3A_300 : vector<16xf32>
        %get3A_302 = arith.constant 27 : i32
        %get3A_303 = arith.index_cast %get3A_302 : i32 to index
        %get3A_304 = arith.index_cast %mul3A_154 : i32 to index
        %get3A_305 = tpu.vector_load %arg6[%get3A_303, %get3A_304] {strides = array<i32>} : memref<56x1024xf32, #tpu.memory_space<vmem>>, vector<16xf32>,
        %add3A_306 = arith.addf %add3A_301, %get3A_305 : vector<16xf32>
        %mul3A_307 = vector.broadcast %scan3A_20 : f32 to vector<16xf32>
        %mul3A_308 = arith.mulf %add3A_306, %mul3A_307 : vector<16xf32>
        %swap3A_309 = arith.constant 3 : i32
        %swap3A_310 = arith.index_cast %swap3A_309 : i32 to index
        %swap3A_311 = arith.index_cast %mul3A_154 : i32 to index
        %swap3A_312 = tpu.vector_load %arg6[%swap3A_310, %swap3A_311] {strides = array<i32>} : memref<56x1024xf32, #tpu.memory_space<vmem>>, vector<16xf32>,
        tpu.vector_store %arg6[%swap3A_310, %swap3A_311], %mul3A_308 {strides = array<i32>} : memref<56x1024xf32, #tpu.memory_space<vmem>>, vector<16xf32>,
        %get3A_313 = arith.constant 28 : i32
        %get3A_314 = arith.index_cast %get3A_313 : i32 to index
        %get3A_315 = arith.index_cast %mul3A_154 : i32 to index
        %get3A_316 = tpu.vector_load %arg6[%get3A_314, %get3A_315] {strides = array<i32>} : memref<56x1024xf32, #tpu.memory_space<vmem>>, vector<16xf32>,
        %get3A_317 = arith.constant 29 : i32
        %get3A_318 = arith.index_cast %get3A_317 : i32 to index
        %get3A_319 = arith.index_cast %mul3A_154 : i32 to index
        %get3A_320 = tpu.vector_load %arg6[%get3A_318, %get3A_319] {strides = array<i32>} : memref<56x1024xf32, #tpu.memory_space<vmem>>, vector<16xf32>,
        %add3A_321 = arith.addf %get3A_316, %get3A_320 : vector<16xf32>
        %get3A_322 = arith.constant 30 : i32
        %get3A_323 = arith.index_cast %get3A_322 : i32 to index
        %get3A_324 = arith.index_cast %mul3A_154 : i32 to index
        %get3A_325 = tpu.vector_load %arg6[%get3A_323, %get3A_324] {strides = array<i32>} : memref<56x1024xf32, #tpu.memory_space<vmem>>, vector<16xf32>,
        %add3A_326 = arith.addf %add3A_321, %get3A_325 : vector<16xf32>
        %get3A_327 = arith.constant 31 : i32
        %get3A_328 = arith.index_cast %get3A_327 : i32 to index
        %get3A_329 = arith.index_cast %mul3A_154 : i32 to index
        %get3A_330 = tpu.vector_load %arg6[%get3A_328, %get3A_329] {strides = array<i32>} : memref<56x1024xf32, #tpu.memory_space<vmem>>, vector<16xf32>,
        %add3A_331 = arith.addf %add3A_326, %get3A_330 : vector<16xf32>
        %get3A_332 = arith.constant 32 : i32
        %get3A_333 = arith.index_cast %get3A_332 : i32 to index
        %get3A_334 = arith.index_cast %mul3A_154 : i32 to index
        %get3A_335 = tpu.vector_load %arg6[%get3A_333, %get3A_334] {strides = array<i32>} : memref<56x1024xf32, #tpu.memory_space<vmem>>, vector<16xf32>,
        %add3A_336 = arith.addf %add3A_331, %get3A_335 : vector<16xf32>
        %get3A_337 = arith.constant 33 : i32
        %get3A_338 = arith.index_cast %get3A_337 : i32 to index
        %get3A_339 = arith.index_cast %mul3A_154 : i32 to index
        %get3A_340 = tpu.vector_load %arg6[%get3A_338, %get3A_339] {strides = array<i32>} : memref<56x1024xf32, #tpu.memory_space<vmem>>, vector<16xf32>,
        %add3A_341 = arith.addf %add3A_336, %get3A_340 : vector<16xf32>
        %get3A_342 = arith.constant 34 : i32
        %get3A_343 = arith.index_cast %get3A_342 : i32 to index
        %get3A_344 = arith.index_cast %mul3A_154 : i32 to index
        %get3A_345 = tpu.vector_load %arg6[%get3A_343, %get3A_344] {strides = array<i32>} : memref<56x1024xf32, #tpu.memory_space<vmem>>, vector<16xf32>,
        %add3A_346 = arith.addf %add3A_341, %get3A_345 : vector<16xf32>
        %mul3A_347 = vector.broadcast %scan3A_20 : f32 to vector<16xf32>
        %mul3A_348 = arith.mulf %add3A_346, %mul3A_347 : vector<16xf32>
        %swap3A_349 = arith.constant 4 : i32
        %swap3A_350 = arith.index_cast %swap3A_349 : i32 to index
        %swap3A_351 = arith.index_cast %mul3A_154 : i32 to index
        %swap3A_352 = tpu.vector_load %arg6[%swap3A_350, %swap3A_351] {strides = array<i32>} : memref<56x1024xf32, #tpu.memory_space<vmem>>, vector<16xf32>,
        tpu.vector_store %arg6[%swap3A_350, %swap3A_351], %mul3A_348 {strides = array<i32>} : memref<56x1024xf32, #tpu.memory_space<vmem>>, vector<16xf32>,
        %get3A_353 = arith.constant 35 : i32
        %get3A_354 = arith.index_cast %get3A_353 : i32 to index
        %get3A_355 = arith.index_cast %mul3A_154 : i32 to index
        %get3A_356 = tpu.vector_load %arg6[%get3A_354, %get3A_355] {strides = array<i32>} : memref<56x1024xf32, #tpu.memory_space<vmem>>, vector<16xf32>,
        %get3A_357 = arith.constant 36 : i32
        %get3A_358 = arith.index_cast %get3A_357 : i32 to index
        %get3A_359 = arith.index_cast %mul3A_154 : i32 to index
        %get3A_360 = tpu.vector_load %arg6[%get3A_358, %get3A_359] {strides = array<i32>} : memref<56x1024xf32, #tpu.memory_space<vmem>>, vector<16xf32>,
        %add3A_361 = arith.addf %get3A_356, %get3A_360 : vector<16xf32>
        %get3A_362 = arith.constant 37 : i32
        %get3A_363 = arith.index_cast %get3A_362 : i32 to index
        %get3A_364 = arith.index_cast %mul3A_154 : i32 to index
        %get3A_365 = tpu.vector_load %arg6[%get3A_363, %get3A_364] {strides = array<i32>} : memref<56x1024xf32, #tpu.memory_space<vmem>>, vector<16xf32>,
        %add3A_366 = arith.addf %add3A_361, %get3A_365 : vector<16xf32>
        %get3A_367 = arith.constant 38 : i32
        %get3A_368 = arith.index_cast %get3A_367 : i32 to index
        %get3A_369 = arith.index_cast %mul3A_154 : i32 to index
        %get3A_370 = tpu.vector_load %arg6[%get3A_368, %get3A_369] {strides = array<i32>} : memref<56x1024xf32, #tpu.memory_space<vmem>>, vector<16xf32>,
        %add3A_371 = arith.addf %add3A_366, %get3A_370 : vector<16xf32>
        %get3A_372 = arith.constant 39 : i32
        %get3A_373 = arith.index_cast %get3A_372 : i32 to index
        %get3A_374 = arith.index_cast %mul3A_154 : i32 to index
        %get3A_375 = tpu.vector_load %arg6[%get3A_373, %get3A_374] {strides = array<i32>} : memref<56x1024xf32, #tpu.memory_space<vmem>>, vector<16xf32>,
        %add3A_376 = arith.addf %add3A_371, %get3A_375 : vector<16xf32>
        %get3A_377 = arith.constant 40 : i32
        %get3A_378 = arith.index_cast %get3A_377 : i32 to index
        %get3A_379 = arith.index_cast %mul3A_154 : i32 to index
        %get3A_380 = tpu.vector_load %arg6[%get3A_378, %get3A_379] {strides = array<i32>} : memref<56x1024xf32, #tpu.memory_space<vmem>>, vector<16xf32>,
        %add3A_381 = arith.addf %add3A_376, %get3A_380 : vector<16xf32>
        %get3A_382 = arith.constant 41 : i32
        %get3A_383 = arith.index_cast %get3A_382 : i32 to index
        %get3A_384 = arith.index_cast %mul3A_154 : i32 to index
        %get3A_385 = tpu.vector_load %arg6[%get3A_383, %get3A_384] {strides = array<i32>} : memref<56x1024xf32, #tpu.memory_space<vmem>>, vector<16xf32>,
        %add3A_386 = arith.addf %add3A_381, %get3A_385 : vector<16xf32>
        %mul3A_387 = vector.broadcast %scan3A_20 : f32 to vector<16xf32>
        %mul3A_388 = arith.mulf %add3A_386, %mul3A_387 : vector<16xf32>
        %swap3A_389 = arith.constant 5 : i32
        %swap3A_390 = arith.index_cast %swap3A_389 : i32 to index
        %swap3A_391 = arith.index_cast %mul3A_154 : i32 to index
        %swap3A_392 = tpu.vector_load %arg6[%swap3A_390, %swap3A_391] {strides = array<i32>} : memref<56x1024xf32, #tpu.memory_space<vmem>>, vector<16xf32>,
        tpu.vector_store %arg6[%swap3A_390, %swap3A_391], %mul3A_388 {strides = array<i32>} : memref<56x1024xf32, #tpu.memory_space<vmem>>, vector<16xf32>,
        %get3A_393 = arith.constant 42 : i32
        %get3A_394 = arith.index_cast %get3A_393 : i32 to index
        %get3A_395 = arith.index_cast %mul3A_154 : i32 to index
        %get3A_396 = tpu.vector_load %arg6[%get3A_394, %get3A_395] {strides = array<i32>} : memref<56x1024xf32, #tpu.memory_space<vmem>>, vector<16xf32>,
        %get3A_397 = arith.constant 43 : i32
        %get3A_398 = arith.index_cast %get3A_397 : i32 to index
        %get3A_399 = arith.index_cast %mul3A_154 : i32 to index
        %get3A_400 = tpu.vector_load %arg6[%get3A_398, %get3A_399] {strides = array<i32>} : memref<56x1024xf32, #tpu.memory_space<vmem>>, vector<16xf32>,
        %add3A_401 = arith.addf %get3A_396, %get3A_400 : vector<16xf32>
        %get3A_402 = arith.constant 44 : i32
        %get3A_403 = arith.index_cast %get3A_402 : i32 to index
        %get3A_404 = arith.index_cast %mul3A_154 : i32 to index
        %get3A_405 = tpu.vector_load %arg6[%get3A_403, %get3A_404] {strides = array<i32>} : memref<56x1024xf32, #tpu.memory_space<vmem>>, vector<16xf32>,
        %add3A_406 = arith.addf %add3A_401, %get3A_405 : vector<16xf32>
        %get3A_407 = arith.constant 45 : i32
        %get3A_408 = arith.index_cast %get3A_407 : i32 to index
        %get3A_409 = arith.index_cast %mul3A_154 : i32 to index
        %get3A_410 = tpu.vector_load %arg6[%get3A_408, %get3A_409] {strides = array<i32>} : memref<56x1024xf32, #tpu.memory_space<vmem>>, vector<16xf32>,
        %add3A_411 = arith.addf %add3A_406, %get3A_410 : vector<16xf32>
        %get3A_412 = arith.constant 46 : i32
        %get3A_413 = arith.index_cast %get3A_412 : i32 to index
        %get3A_414 = arith.index_cast %mul3A_154 : i32 to index
        %get3A_415 = tpu.vector_load %arg6[%get3A_413, %get3A_414] {strides = array<i32>} : memref<56x1024xf32, #tpu.memory_space<vmem>>, vector<16xf32>,
        %add3A_416 = arith.addf %add3A_411, %get3A_415 : vector<16xf32>
        %get3A_417 = arith.constant 47 : i32
        %get3A_418 = arith.index_cast %get3A_417 : i32 to index
        %get3A_419 = arith.index_cast %mul3A_154 : i32 to index
        %get3A_420 = tpu.vector_load %arg6[%get3A_418, %get3A_419] {strides = array<i32>} : memref<56x1024xf32, #tpu.memory_space<vmem>>, vector<16xf32>,
        %add3A_421 = arith.addf %add3A_416, %get3A_420 : vector<16xf32>
        %get3A_422 = arith.constant 48 : i32
        %get3A_423 = arith.index_cast %get3A_422 : i32 to index
        %get3A_424 = arith.index_cast %mul3A_154 : i32 to index
        %get3A_425 = tpu.vector_load %arg6[%get3A_423, %get3A_424] {strides = array<i32>} : memref<56x1024xf32, #tpu.memory_space<vmem>>, vector<16xf32>,
        %add3A_426 = arith.addf %add3A_421, %get3A_425 : vector<16xf32>
        %mul3A_427 = vector.broadcast %scan3A_20 : f32 to vector<16xf32>
        %mul3A_428 = arith.mulf %add3A_426, %mul3A_427 : vector<16xf32>
        %swap3A_429 = arith.constant 6 : i32
        %swap3A_430 = arith.index_cast %swap3A_429 : i32 to index
        %swap3A_431 = arith.index_cast %mul3A_154 : i32 to index
        %swap3A_432 = tpu.vector_load %arg6[%swap3A_430, %swap3A_431] {strides = array<i32>} : memref<56x1024xf32, #tpu.memory_space<vmem>>, vector<16xf32>,
        tpu.vector_store %arg6[%swap3A_430, %swap3A_431], %mul3A_428 {strides = array<i32>} : memref<56x1024xf32, #tpu.memory_space<vmem>>, vector<16xf32>,
        %get3A_433 = arith.constant 49 : i32
        %get3A_434 = arith.index_cast %get3A_433 : i32 to index
        %get3A_435 = arith.index_cast %mul3A_154 : i32 to index
        %get3A_436 = tpu.vector_load %arg6[%get3A_434, %get3A_435] {strides = array<i32>} : memref<56x1024xf32, #tpu.memory_space<vmem>>, vector<16xf32>,
        %get3A_437 = arith.constant 50 : i32
        %get3A_438 = arith.index_cast %get3A_437 : i32 to index
        %get3A_439 = arith.index_cast %mul3A_154 : i32 to index
        %get3A_440 = tpu.vector_load %arg6[%get3A_438, %get3A_439] {strides = array<i32>} : memref<56x1024xf32, #tpu.memory_space<vmem>>, vector<16xf32>,
        %add3A_441 = arith.addf %get3A_436, %get3A_440 : vector<16xf32>
        %get3A_442 = arith.constant 51 : i32
        %get3A_443 = arith.index_cast %get3A_442 : i32 to index
        %get3A_444 = arith.index_cast %mul3A_154 : i32 to index
        %get3A_445 = tpu.vector_load %arg6[%get3A_443, %get3A_444] {strides = array<i32>} : memref<56x1024xf32, #tpu.memory_space<vmem>>, vector<16xf32>,
        %add3A_446 = arith.addf %add3A_441, %get3A_445 : vector<16xf32>
        %get3A_447 = arith.constant 52 : i32
        %get3A_448 = arith.index_cast %get3A_447 : i32 to index
        %get3A_449 = arith.index_cast %mul3A_154 : i32 to index
        %get3A_450 = tpu.vector_load %arg6[%get3A_448, %get3A_449] {strides = array<i32>} : memref<56x1024xf32, #tpu.memory_space<vmem>>, vector<16xf32>,
        %add3A_451 = arith.addf %add3A_446, %get3A_450 : vector<16xf32>
        %get3A_452 = arith.constant 53 : i32
        %get3A_453 = arith.index_cast %get3A_452 : i32 to index
        %get3A_454 = arith.index_cast %mul3A_154 : i32 to index
        %get3A_455 = tpu.vector_load %arg6[%get3A_453, %get3A_454] {strides = array<i32>} : memref<56x1024xf32, #tpu.memory_space<vmem>>, vector<16xf32>,
        %add3A_456 = arith.addf %add3A_451, %get3A_455 : vector<16xf32>
        %get3A_457 = arith.constant 54 : i32
        %get3A_458 = arith.index_cast %get3A_457 : i32 to index
        %get3A_459 = arith.index_cast %mul3A_154 : i32 to index
        %get3A_460 = tpu.vector_load %arg6[%get3A_458, %get3A_459] {strides = array<i32>} : memref<56x1024xf32, #tpu.memory_space<vmem>>, vector<16xf32>,
        %add3A_461 = arith.addf %add3A_456, %get3A_460 : vector<16xf32>
        %get3A_462 = arith.constant 55 : i32
        %get3A_463 = arith.index_cast %get3A_462 : i32 to index
        %get3A_464 = arith.index_cast %mul3A_154 : i32 to index
        %get3A_465 = tpu.vector_load %arg6[%get3A_463, %get3A_464] {strides = array<i32>} : memref<56x1024xf32, #tpu.memory_space<vmem>>, vector<16xf32>,
        %add3A_466 = arith.addf %add3A_461, %get3A_465 : vector<16xf32>
        %mul3A_467 = vector.broadcast %scan3A_20 : f32 to vector<16xf32>
        %mul3A_468 = arith.mulf %add3A_466, %mul3A_467 : vector<16xf32>
        %swap3A_469 = arith.constant 7 : i32
        %swap3A_470 = arith.index_cast %swap3A_469 : i32 to index
        %swap3A_471 = arith.index_cast %mul3A_154 : i32 to index
        %swap3A_472 = tpu.vector_load %arg6[%swap3A_470, %swap3A_471] {strides = array<i32>} : memref<56x1024xf32, #tpu.memory_space<vmem>>, vector<16xf32>,
        tpu.vector_store %arg6[%swap3A_470, %swap3A_471], %mul3A_468 {strides = array<i32>} : memref<56x1024xf32, #tpu.memory_space<vmem>>, vector<16xf32>,
      }
      %scan3A_138 = arith.constant 64 : i32
      %add3A_139 = arith.addi %mul3A_2, %add3A_105 : i32
      %mul3A_140 = arith.constant 8 : i32
      %mul3A_141 = arith.muli %add3A_139, %mul3A_140 : i32
      %dma_start3A_142 = arith.constant 0 : i32
      %dma_start3A_143 = arith.constant 0 : i32
      %dma_start3A_144 = tpu.memref_slice %arg6[%dma_start3A_142, %dma_start3A_143] : memref<56x1024xf32, #tpu.memory_space<vmem>> -> memref<8x1024xf32, #tpu.memory_space<vmem>>
      %dma_start3A_145 = arith.constant 0 : i32
      %dma_start3A_146 = tpu.memref_slice %arg4[%mul3A_141, %dma_start3A_145] : memref<10242x1024xf32, #tpu.memory_space<hbm>> -> memref<8x1024xf32, #tpu.memory_space<hbm>>
      %dma_start3A_147 = arith.constant 0 : i32
      %dma_start3A_148 = tpu.memref_slice %arg4[%mul3A_141, %dma_start3A_147] : memref<10242x1024xf32, #tpu.memory_space<hbm>> -> memref<8x1024xf32, #tpu.memory_space<hbm>>
      %dma_start3A_149 = arith.constant 0 : i32
      %dma_start3A_150 = arith.constant 0 : i32
      %dma_start3A_151 = tpu.memref_slice %arg6[%dma_start3A_149, %dma_start3A_150] : memref<56x1024xf32, #tpu.memory_space<vmem>> -> memref<8x1024xf32, #tpu.memory_space<vmem>>
      tpu.enqueue_dma source(%dma_start3A_151 : memref<8x1024xf32, #tpu.memory_space<vmem>>) target(%dma_start3A_148 : memref<8x1024xf32, #tpu.memory_space<hbm>>) target_semaphore(%arg11 : memref<!tpu.dma_semaphore, #tpu.memory_space<semaphore_mem>>)
    }
    %scan3A_25 = arith.constant 20 : i32
    %mul3A_26 = arith.constant 8 : i32
    %mul3A_27 = arith.muli %mul3A_2, %mul3A_26 : i32
    %dma_wait3A = arith.constant 0 : i32
    %dma_wait3A_28 = arith.constant 0 : i32
    %dma_wait3A_29 = tpu.memref_slice %arg5[%dma_wait3A, %dma_wait3A_28] : memref<56x1024xf32, #tpu.memory_space<vmem>> -> memref<8x1024xf32, #tpu.memory_space<vmem>>
    %dma_wait3A_30 = arith.constant 0 : i32
    %dma_wait3A_31 = tpu.memref_slice %arg4[%mul3A_27, %dma_wait3A_30] : memref<10242x1024xf32, #tpu.memory_space<hbm>> -> memref<8x1024xf32, #tpu.memory_space<hbm>>
    %dma_wait3A_32 = arith.constant 0 : i32
    %dma_wait3A_33 = tpu.memref_slice %arg4[%mul3A_27, %dma_wait3A_32] : memref<10242x1024xf32, #tpu.memory_space<hbm>> -> memref<8x1024xf32, #tpu.memory_space<hbm>>
    %dma_wait3A_34 = arith.constant 0 : i32
    %dma_wait3A_35 = arith.constant 0 : i32
    %dma_wait3A_36 = tpu.memref_slice %arg5[%dma_wait3A_34, %dma_wait3A_35] : memref<56x1024xf32, #tpu.memory_space<vmem>> -> memref<8x1024xf32, #tpu.memory_space<vmem>>
    tpu.wait_dma2 semaphore(%arg10 : memref<!tpu.dma_semaphore, #tpu.memory_space<semaphore_mem>>) src(%dma_wait3A_36 : memref<8x1024xf32, #tpu.memory_space<vmem>>) dst(%dma_wait3A_33 : memref<8x1024xf32, #tpu.memory_space<hbm>>)
    %mul3A_37 = arith.constant 8 : i32
    %mul3A_38 = arith.muli %mul3A_2, %mul3A_37 : i32
    %dma_wait3A_39 = arith.constant 0 : i32
    %dma_wait3A_40 = arith.constant 0 : i32
    %dma_wait3A_41 = tpu.memref_slice %arg6[%dma_wait3A_39, %dma_wait3A_40] : memref<56x1024xf32, #tpu.memory_space<vmem>> -> memref<8x1024xf32, #tpu.memory_space<vmem>>
    %dma_wait3A_42 = arith.constant 0 : i32
    %dma_wait3A_43 = tpu.memref_slice %arg4[%mul3A_38, %dma_wait3A_42] : memref<10242x1024xf32, #tpu.memory_space<hbm>> -> memref<8x1024xf32, #tpu.memory_space<hbm>>
    %dma_wait3A_44 = arith.constant 0 : i32
    %dma_wait3A_45 = tpu.memref_slice %arg4[%mul3A_38, %dma_wait3A_44] : memref<10242x1024xf32, #tpu.memory_space<hbm>> -> memref<8x1024xf32, #tpu.memory_space<hbm>>
    %dma_wait3A_46 = arith.constant 0 : i32
    %dma_wait3A_47 = arith.constant 0 : i32
    %dma_wait3A_48 = tpu.memref_slice %arg6[%dma_wait3A_46, %dma_wait3A_47] : memref<56x1024xf32, #tpu.memory_space<vmem>> -> memref<8x1024xf32, #tpu.memory_space<vmem>>
    tpu.wait_dma2 semaphore(%arg11 : memref<!tpu.dma_semaphore, #tpu.memory_space<semaphore_mem>>) src(%dma_wait3A_48 : memref<8x1024xf32, #tpu.memory_space<vmem>>) dst(%dma_wait3A_45 : memref<8x1024xf32, #tpu.memory_space<hbm>>)
    %eq3A = arith.constant 0 : i32
    %eq3A_49 = arith.cmpi eq, %add3A, %eq3A : i32
    %convert_element_type3A = arith.extui %eq3A_49 : i1 to i32
    %cond3A = arith.constant 0.142857149 : f32
    %cond3A_50 = arith.constant 0 : i32
    %cond3A_51 = arith.cmpi ne, %convert_element_type3A, %cond3A_50 : i32
    scf.if %cond3A_51 {
      "tpu.region"() ({
        %run_scoped3A = tpu.sem_alloc : memref<!tpu.dma_semaphore, #tpu.memory_space<semaphore_mem>>
        %dma_start3A_74 = arith.constant 0 : i32
        %dma_start3A_75 = tpu.memref_slice %arg7[%dma_start3A_74] : memref<2240xi32, #tpu.memory_space<vmem>> -> memref<14xi32, #tpu.memory_space<vmem>>
        %dma_start3A_76 = arith.constant 71680 : i32
        %dma_start3A_77 = tpu.memref_slice %arg3[%dma_start3A_76] : memref<71694xi32, #tpu.memory_space<hbm>> -> memref<14xi32, #tpu.memory_space<hbm>>
        %dma_start3A_78 = arith.constant 0 : i32
        %dma_start3A_79 = tpu.memref_slice %arg7[%dma_start3A_78] : memref<2240xi32, #tpu.memory_space<vmem>> -> memref<14xi32, #tpu.memory_space<vmem>>
        %dma_start3A_80 = arith.constant 71680 : i32
        %dma_start3A_81 = tpu.memref_slice %arg3[%dma_start3A_80] : memref<71694xi32, #tpu.memory_space<hbm>> -> memref<14xi32, #tpu.memory_space<hbm>>
        tpu.enqueue_dma source(%dma_start3A_81 : memref<14xi32, #tpu.memory_space<hbm>>) target(%dma_start3A_79 : memref<14xi32, #tpu.memory_space<vmem>>) target_semaphore(%run_scoped3A : memref<!tpu.dma_semaphore, #tpu.memory_space<semaphore_mem>>)
        %dma_wait3A_82 = arith.constant 0 : i32
        %dma_wait3A_83 = tpu.memref_slice %arg7[%dma_wait3A_82] : memref<2240xi32, #tpu.memory_space<vmem>> -> memref<14xi32, #tpu.memory_space<vmem>>
        %dma_wait3A_84 = arith.constant 71680 : i32
        %dma_wait3A_85 = tpu.memref_slice %arg3[%dma_wait3A_84] : memref<71694xi32, #tpu.memory_space<hbm>> -> memref<14xi32, #tpu.memory_space<hbm>>
        %dma_wait3A_86 = arith.constant 0 : i32
        %dma_wait3A_87 = tpu.memref_slice %arg7[%dma_wait3A_86] : memref<2240xi32, #tpu.memory_space<vmem>> -> memref<14xi32, #tpu.memory_space<vmem>>
        %dma_wait3A_88 = arith.constant 71680 : i32
        %dma_wait3A_89 = tpu.memref_slice %arg3[%dma_wait3A_88] : memref<71694xi32, #tpu.memory_space<hbm>> -> memref<14xi32, #tpu.memory_space<hbm>>
        tpu.wait_dma2 semaphore(%run_scoped3A : memref<!tpu.dma_semaphore, #tpu.memory_space<semaphore_mem>>) src(%dma_wait3A_89 : memref<14xi32, #tpu.memory_space<hbm>>) dst(%dma_wait3A_87 : memref<14xi32, #tpu.memory_space<vmem>>)
        tpu.yield
      }) : () -> ()
      %dma_start3A_52 = arith.constant 0 : i32
      %dma_start3A_53 = arith.constant 0 : i32
      %dma_start3A_54 = tpu.memref_slice %arg5[%dma_start3A_52, %dma_start3A_53] : memref<56x1024xf32, #tpu.memory_space<vmem>> -> memref<14x1024xf32, #tpu.memory_space<vmem>>
      %dma_start3A_55 = arith.constant 0 : i32
      %dma_start3A_56 = tpu.memref_slice %arg7[%dma_start3A_55] : memref<2240xi32, #tpu.memory_space<vmem>> -> memref<14xi32, #tpu.memory_space<vmem>>
      %dma_start3A_57 = arith.constant 0 : i32
      %dma_start3A_58 = arith.constant 0 : i32
      %dma_start3A_59 = tpu.memref_slice %arg2[%dma_start3A_57, %dma_start3A_58] : memref<40962x1024xf32, #tpu.memory_space<hbm>> -> memref<40962x1024xf32, #tpu.memory_space<hbm>>
      tpu.enqueue_indirect_dma source(%dma_start3A_59 : memref<40962x1024xf32, #tpu.memory_space<hbm>>) target(%dma_start3A_54 : memref<14x1024xf32, #tpu.memory_space<vmem>>) offsets(%dma_start3A_56 : memref<14xi32, #tpu.memory_space<vmem>>) semaphore(%arg8 : memref<!tpu.dma_semaphore, #tpu.memory_space<semaphore_mem>>)
      %dma_wait3A_60 = arith.constant 0 : i32
      %dma_wait3A_61 = arith.constant 0 : i32
      %dma_wait3A_62 = tpu.memref_slice %arg5[%dma_wait3A_60, %dma_wait3A_61] : memref<56x1024xf32, #tpu.memory_space<vmem>> -> memref<14x1024xf32, #tpu.memory_space<vmem>>
      %dma_wait3A_63 = arith.constant 0 : i32
      %dma_wait3A_64 = tpu.memref_slice %arg7[%dma_wait3A_63] : memref<2240xi32, #tpu.memory_space<vmem>> -> memref<14xi32, #tpu.memory_space<vmem>>
      %dma_wait3A_65 = arith.constant 0 : i32
      %dma_wait3A_66 = arith.constant 0 : i32
      %dma_wait3A_67 = tpu.memref_slice %arg2[%dma_wait3A_65, %dma_wait3A_66] : memref<40962x1024xf32, #tpu.memory_space<hbm>> -> memref<40962x1024xf32, #tpu.memory_space<hbm>>
      tpu.wait_indirect_dma semaphore(%arg8 : memref<!tpu.dma_semaphore, #tpu.memory_space<semaphore_mem>>) src(%dma_wait3A_67 : memref<40962x1024xf32, #tpu.memory_space<hbm>>) dst(%dma_wait3A_62 : memref<14x1024xf32, #tpu.memory_space<vmem>>)
      %scan3A_68 = arith.constant 0 : i32
      %scan3A_69 = arith.constant 0 : i32
      %scan3A_70 = arith.constant 64 : i32
      %scan3A_71 = arith.addi %scan3A_69, %scan3A_70 : i32
      %scan3A_72 = arith.constant 1 : i32
      scf.for %scan3A_74 = %scan3A_69 to %scan3A_71 step %scan3A_72  : i32 {
        %mul3A_75 = arith.constant 16 : i32
        %mul3A_76 = arith.muli %scan3A_74, %mul3A_75 : i32
        %get3A = arith.constant 0 : i32
        %get3A_77 = arith.index_cast %get3A : i32 to index
        %get3A_78 = arith.index_cast %mul3A_76 : i32 to index
        %get3A_79 = tpu.vector_load %arg5[%get3A_77, %get3A_78] {strides = array<i32>} : memref<56x1024xf32, #tpu.memory_space<vmem>>, vector<16xf32>,
        %get3A_80 = arith.constant 1 : i32
        %get3A_81 = arith.index_cast %get3A_80 : i32 to index
        %get3A_82 = arith.index_cast %mul3A_76 : i32 to index
        %get3A_83 = tpu.vector_load %arg5[%get3A_81, %get3A_82] {strides = array<i32>} : memref<56x1024xf32, #tpu.memory_space<vmem>>, vector<16xf32>,
        %add3A_84 = arith.addf %get3A_79, %get3A_83 : vector<16xf32>
        %get3A_85 = arith.constant 2 : i32
        %get3A_86 = arith.index_cast %get3A_85 : i32 to index
        %get3A_87 = arith.index_cast %mul3A_76 : i32 to index
        %get3A_88 = tpu.vector_load %arg5[%get3A_86, %get3A_87] {strides = array<i32>} : memref<56x1024xf32, #tpu.memory_space<vmem>>, vector<16xf32>,
        %add3A_89 = arith.addf %add3A_84, %get3A_88 : vector<16xf32>
        %get3A_90 = arith.constant 3 : i32
        %get3A_91 = arith.index_cast %get3A_90 : i32 to index
        %get3A_92 = arith.index_cast %mul3A_76 : i32 to index
        %get3A_93 = tpu.vector_load %arg5[%get3A_91, %get3A_92] {strides = array<i32>} : memref<56x1024xf32, #tpu.memory_space<vmem>>, vector<16xf32>,
        %add3A_94 = arith.addf %add3A_89, %get3A_93 : vector<16xf32>
        %get3A_95 = arith.constant 4 : i32
        %get3A_96 = arith.index_cast %get3A_95 : i32 to index
        %get3A_97 = arith.index_cast %mul3A_76 : i32 to index
        %get3A_98 = tpu.vector_load %arg5[%get3A_96, %get3A_97] {strides = array<i32>} : memref<56x1024xf32, #tpu.memory_space<vmem>>, vector<16xf32>,
        %add3A_99 = arith.addf %add3A_94, %get3A_98 : vector<16xf32>
        %get3A_100 = arith.constant 5 : i32
        %get3A_101 = arith.index_cast %get3A_100 : i32 to index
        %get3A_102 = arith.index_cast %mul3A_76 : i32 to index
        %get3A_103 = tpu.vector_load %arg5[%get3A_101, %get3A_102] {strides = array<i32>} : memref<56x1024xf32, #tpu.memory_space<vmem>>, vector<16xf32>,
        %add3A_104 = arith.addf %add3A_99, %get3A_103 : vector<16xf32>
        %get3A_105 = arith.constant 6 : i32
        %get3A_106 = arith.index_cast %get3A_105 : i32 to index
        %get3A_107 = arith.index_cast %mul3A_76 : i32 to index
        %get3A_108 = tpu.vector_load %arg5[%get3A_106, %get3A_107] {strides = array<i32>} : memref<56x1024xf32, #tpu.memory_space<vmem>>, vector<16xf32>,
        %add3A_109 = arith.addf %add3A_104, %get3A_108 : vector<16xf32>
        %mul3A_110 = vector.broadcast %cond3A : f32 to vector<16xf32>
        %mul3A_111 = arith.mulf %add3A_109, %mul3A_110 : vector<16xf32>
        %swap3A = arith.constant 0 : i32
        %swap3A_112 = arith.index_cast %swap3A : i32 to index
        %swap3A_113 = arith.index_cast %mul3A_76 : i32 to index
        %swap3A_114 = tpu.vector_load %arg5[%swap3A_112, %swap3A_113] {strides = array<i32>} : memref<56x1024xf32, #tpu.memory_space<vmem>>, vector<16xf32>,
        tpu.vector_store %arg5[%swap3A_112, %swap3A_113], %mul3A_111 {strides = array<i32>} : memref<56x1024xf32, #tpu.memory_space<vmem>>, vector<16xf32>,
        %get3A_115 = arith.constant 7 : i32
        %get3A_116 = arith.index_cast %get3A_115 : i32 to index
        %get3A_117 = arith.index_cast %mul3A_76 : i32 to index
        %get3A_118 = tpu.vector_load %arg5[%get3A_116, %get3A_117] {strides = array<i32>} : memref<56x1024xf32, #tpu.memory_space<vmem>>, vector<16xf32>,
        %get3A_119 = arith.constant 8 : i32
        %get3A_120 = arith.index_cast %get3A_119 : i32 to index
        %get3A_121 = arith.index_cast %mul3A_76 : i32 to index
        %get3A_122 = tpu.vector_load %arg5[%get3A_120, %get3A_121] {strides = array<i32>} : memref<56x1024xf32, #tpu.memory_space<vmem>>, vector<16xf32>,
        %add3A_123 = arith.addf %get3A_118, %get3A_122 : vector<16xf32>
        %get3A_124 = arith.constant 9 : i32
        %get3A_125 = arith.index_cast %get3A_124 : i32 to index
        %get3A_126 = arith.index_cast %mul3A_76 : i32 to index
        %get3A_127 = tpu.vector_load %arg5[%get3A_125, %get3A_126] {strides = array<i32>} : memref<56x1024xf32, #tpu.memory_space<vmem>>, vector<16xf32>,
        %add3A_128 = arith.addf %add3A_123, %get3A_127 : vector<16xf32>
        %get3A_129 = arith.constant 10 : i32
        %get3A_130 = arith.index_cast %get3A_129 : i32 to index
        %get3A_131 = arith.index_cast %mul3A_76 : i32 to index
        %get3A_132 = tpu.vector_load %arg5[%get3A_130, %get3A_131] {strides = array<i32>} : memref<56x1024xf32, #tpu.memory_space<vmem>>, vector<16xf32>,
        %add3A_133 = arith.addf %add3A_128, %get3A_132 : vector<16xf32>
        %get3A_134 = arith.constant 11 : i32
        %get3A_135 = arith.index_cast %get3A_134 : i32 to index
        %get3A_136 = arith.index_cast %mul3A_76 : i32 to index
        %get3A_137 = tpu.vector_load %arg5[%get3A_135, %get3A_136] {strides = array<i32>} : memref<56x1024xf32, #tpu.memory_space<vmem>>, vector<16xf32>,
        %add3A_138 = arith.addf %add3A_133, %get3A_137 : vector<16xf32>
        %get3A_139 = arith.constant 12 : i32
        %get3A_140 = arith.index_cast %get3A_139 : i32 to index
        %get3A_141 = arith.index_cast %mul3A_76 : i32 to index
        %get3A_142 = tpu.vector_load %arg5[%get3A_140, %get3A_141] {strides = array<i32>} : memref<56x1024xf32, #tpu.memory_space<vmem>>, vector<16xf32>,
        %add3A_143 = arith.addf %add3A_138, %get3A_142 : vector<16xf32>
        %get3A_144 = arith.constant 13 : i32
        %get3A_145 = arith.index_cast %get3A_144 : i32 to index
        %get3A_146 = arith.index_cast %mul3A_76 : i32 to index
        %get3A_147 = tpu.vector_load %arg5[%get3A_145, %get3A_146] {strides = array<i32>} : memref<56x1024xf32, #tpu.memory_space<vmem>>, vector<16xf32>,
        %add3A_148 = arith.addf %add3A_143, %get3A_147 : vector<16xf32>
        %mul3A_149 = vector.broadcast %cond3A : f32 to vector<16xf32>
        %mul3A_150 = arith.mulf %add3A_148, %mul3A_149 : vector<16xf32>
        %swap3A_151 = arith.constant 1 : i32
        %swap3A_152 = arith.index_cast %swap3A_151 : i32 to index
        %swap3A_153 = arith.index_cast %mul3A_76 : i32 to index
        %swap3A_154 = tpu.vector_load %arg5[%swap3A_152, %swap3A_153] {strides = array<i32>} : memref<56x1024xf32, #tpu.memory_space<vmem>>, vector<16xf32>,
        tpu.vector_store %arg5[%swap3A_152, %swap3A_153], %mul3A_150 {strides = array<i32>} : memref<56x1024xf32, #tpu.memory_space<vmem>>, vector<16xf32>,
      }
      %scan3A_73 = arith.constant 64 : i32
      "tpu.region"() ({
        %run_scoped3A = tpu.sem_alloc : memref<!tpu.dma_semaphore, #tpu.memory_space<semaphore_mem>>
        %dma_start3A_74 = arith.constant 0 : i32
        %dma_start3A_75 = arith.constant 0 : i32
        %dma_start3A_76 = tpu.memref_slice %arg5[%dma_start3A_74, %dma_start3A_75] : memref<56x1024xf32, #tpu.memory_space<vmem>> -> memref<2x1024xf32, #tpu.memory_space<vmem>>
        %dma_start3A_77 = arith.constant 10240 : i32
        %dma_start3A_78 = arith.constant 0 : i32
        %dma_start3A_79 = tpu.memref_slice %arg4[%dma_start3A_77, %dma_start3A_78] : memref<10242x1024xf32, #tpu.memory_space<hbm>> -> memref<2x1024xf32, #tpu.memory_space<hbm>>
        %dma_start3A_80 = arith.constant 10240 : i32
        %dma_start3A_81 = arith.constant 0 : i32
        %dma_start3A_82 = tpu.memref_slice %arg4[%dma_start3A_80, %dma_start3A_81] : memref<10242x1024xf32, #tpu.memory_space<hbm>> -> memref<2x1024xf32, #tpu.memory_space<hbm>>
        %dma_start3A_83 = arith.constant 0 : i32
        %dma_start3A_84 = arith.constant 0 : i32
        %dma_start3A_85 = tpu.memref_slice %arg5[%dma_start3A_83, %dma_start3A_84] : memref<56x1024xf32, #tpu.memory_space<vmem>> -> memref<2x1024xf32, #tpu.memory_space<vmem>>
        tpu.enqueue_dma source(%dma_start3A_85 : memref<2x1024xf32, #tpu.memory_space<vmem>>) target(%dma_start3A_82 : memref<2x1024xf32, #tpu.memory_space<hbm>>) target_semaphore(%run_scoped3A : memref<!tpu.dma_semaphore, #tpu.memory_space<semaphore_mem>>)
        %dma_wait3A_86 = arith.constant 0 : i32
        %dma_wait3A_87 = arith.constant 0 : i32
        %dma_wait3A_88 = tpu.memref_slice %arg5[%dma_wait3A_86, %dma_wait3A_87] : memref<56x1024xf32, #tpu.memory_space<vmem>> -> memref<2x1024xf32, #tpu.memory_space<vmem>>
        %dma_wait3A_89 = arith.constant 10240 : i32
        %dma_wait3A_90 = arith.constant 0 : i32
        %dma_wait3A_91 = tpu.memref_slice %arg4[%dma_wait3A_89, %dma_wait3A_90] : memref<10242x1024xf32, #tpu.memory_space<hbm>> -> memref<2x1024xf32, #tpu.memory_space<hbm>>
        %dma_wait3A_92 = arith.constant 10240 : i32
        %dma_wait3A_93 = arith.constant 0 : i32
        %dma_wait3A_94 = tpu.memref_slice %arg4[%dma_wait3A_92, %dma_wait3A_93] : memref<10242x1024xf32, #tpu.memory_space<hbm>> -> memref<2x1024xf32, #tpu.memory_space<hbm>>
        %dma_wait3A_95 = arith.constant 0 : i32
        %dma_wait3A_96 = arith.constant 0 : i32
        %dma_wait3A_97 = tpu.memref_slice %arg5[%dma_wait3A_95, %dma_wait3A_96] : memref<56x1024xf32, #tpu.memory_space<vmem>> -> memref<2x1024xf32, #tpu.memory_space<vmem>>
        tpu.wait_dma2 semaphore(%run_scoped3A : memref<!tpu.dma_semaphore, #tpu.memory_space<semaphore_mem>>) src(%dma_wait3A_97 : memref<2x1024xf32, #tpu.memory_space<vmem>>) dst(%dma_wait3A_94 : memref<2x1024xf32, #tpu.memory_space<hbm>>)
        tpu.yield
      }) : () -> ()
    } else {
    }
    return
  }
}

</mosaic_0001>

<sc_bundles>
// kernel: kernel.3.cloned.1.call-start
scs
__scs_entry_jumppad:
0x0: {  	(pc) =	sbr.rel $0x88, $3  }
0x1: {  	(tag) =	ssettag $0x0;
	lr =	simm.s32 $0x1  }
0x2: {  	[smem:$0x3F9F] =	sst lr;
	_ =	strace $0xD0000000  }
0x3: {  	_ = 	snop  }
0x4: {  	_ = 	snop  }
0x5: {  	_ = 	snop  }
0x6: {  	_ = 	snop  }
0x7: {  	_ = 	snop  }
__scs_overlays_trampoline_lowered:
0x8: {  	[smem:$0x3FAE] =	sst s0  }
0x9: {  	[smem:$0x3FAF] =	sst s1  }
0xa: {  	[smem:$0x3FB0] =	sst s2  }
0xb: {  	[smem:$0x3FB1] =	sst s3  }
0xc: {  	[smem:$0x3FB2] =	sst s4  }
0xd: {  	[smem:$0x3FB3] =	sst s5  }
0xe: {  	[smem:$0x3FB4] =	sst s6  }
0xf: {  	[smem:$0x3FB5] =	sst s7  }
0x10: {  	[smem:$0x3FB6] =	sst s8  }
0x11: {  	[smem:$0x3FB7] =	sst s9;
	s0 =	simm.s32 @!p0 $0x0  }
0x12: {  	s1 =	sld [smem:$0x3F9D];
	s0 =	simm.s32 @p0 $0x1  }
0x13: {  	[smem:$0x3FB8] =	sst s0;
	s0 =	simm.s32 @!p1 $0x0  }
0x14: {  	s2 =	sld [smem:$0x3F9C];
	s0 =	simm.s32 @p1 $0x1  }
0x15: {  	[smem:$0x3FB9] =	sst s0;
	s0 =	simm.s32 @!p2 $0x0  }
0x16: {  	s3 =	sld [smem:$0x3FDB];
	s0 =	simm.s32 @p2 $0x1  }
0x17: {  	s4 =	simm.s32 $0x1BF5;
	[smem:$0x3FBB] =	sst s0  }
0x18: {  	s0 =	sld [smem:$0x3F9E];
	_ =	swait.ge [sflag:s4], $0x0  }
0x19: {  	s7 =	sld [smem:$0x3F9F]  }
0x1a: {  	s8 =	sadd.s32 $0xFFFFE003, lr  }
0x1b: {  	s9 =	sadd.s32 $0xFFFFFEF7, lr;
	s5 =	simm.s32 $0xFFFFFFFF;
	p2 =	slt.u32 s8, $0xFFFFF086  }
0x1c: {  	p1 =	slt.u32 s9, $0xF7A;
	s5 =	simm.s32 @!p2 $0x0  }
0x1d: {  	s5 =	simm.s32 @p1 $0x1;
	p0 =	seq.s32 s7, s2  }
0x1e: {  	s7 =	smul.u32 @!p0 $0xF7A, s2;
	p2 =	seq.s32 @!p0 s5, $0x0  }
0x1f: {  	s9 =	smul.u32 $0xF7A, s1;
	s8 =	simm.s32 @!p0 $0x1BF5;
	p2 =	por !p2, p0  }
0x20: {  	[sflag:s8] =	ssyncset.s32 @!p0 $0xFFFFF086;
	s6 =	sadd.s32 @!p0 s3, s7;
	s7 =	simm.s32 @!p0 $0x108  }
0x21: {  	s3 =	sadd.s32 s3, s9;
	s6 =	sadd.s32 @!p0 $0x88, s6;
	s7 =	simm.s32 @p2 $0x1082  }
0x22: {  	[simem:s7], [sflag:s8] =	dma.local @!p0 [hbm:s6], $0xF7A  }
0x23: {  	s9 =	sor.u32 $0xD0000000, s2;
	s6 =	simm.s32 $0x108;
	_ =	swait.ge @!p0 [sflag:s8], $0x0  }
0x24: {  	s3 =	sadd.s32 $0x88, s3;
	s6 =	simm.s32 @!p1 $0x1082;
	[sflag:s4] =	ssyncset.s32 $0xFFFFF086  }
0x25: {  	[simem:s6], [sflag:s4] =	dma.local [hbm:s3], $0xF7A  }
0x26: {  	[smem:$0x3F9F] =	sst s1;
	(tag) =	ssettag s2;
	_ =	strace s9  }
0x27: {  	s1 =	sld [smem:$0x3FAF]  }
0x28: {  	s2 =	sld [smem:$0x3FB0]  }
0x29: {  	s4 =	sld [smem:$0x3FB2]  }
0x2a: {  	p0 =	seq.s32 s5, $0x0;
	s5 =	sld [smem:$0x3FB3]  }
0x2b: {  	s6 =	sld [smem:$0x3FB4]  }
0x2c: {  	s7 =	sld [smem:$0x3FB5]  }
0x2d: {  	s3 =	simm.s32 $0x108;
	s8 =	sld [smem:$0x3FB6]  }
0x2e: {  	s3 =	simm.s32 @!p0 $0x1082;
	s9 =	sld [smem:$0x3FB7]  }
0x2f: {  	lr =	sadd.s32 s0, s3;
	s0 =	sld [smem:$0x3FAE]  }
0x30: {  	s3 =	sld [smem:$0x3FB1]  }
0x31: {  	[smem:$0x3FBA] =	sst s10  }
0x32: {  	s10 =	sld [smem:$0x3FB8];
	_ =	sdelay $0x3  }
0x33: {  	p0 =	seq.s32 s10, $0x1;
	s10 =	sld [smem:$0x3FBA];
	_ =	sdelay $0x3  }
0x34: {  	[smem:$0x3FBA] =	sst s10  }
0x35: {  	s10 =	sld [smem:$0x3FB9];
	_ =	sdelay $0x3  }
0x36: {  	p1 =	seq.s32 s10, $0x1;
	s10 =	sld [smem:$0x3FBA];
	_ =	sdelay $0x3  }
0x37: {  	[smem:$0x3FBA] =	sst s10  }
0x38: {  	s10 =	sld [smem:$0x3FBB]  }
0x39: {  	_ = 	snop;
	(pc) =	sbr.ind lr, $3  }
0x3a: {  	_ = 	snop  }
0x3b: {  	_ = 	snop  }
0x3c: {  	p2 =	seq.s32 s10, $0x1;
	s10 =	sld [smem:$0x3FBA]  }
0x3d: {  	_ =	shalt  }
0x3e: {  	_ =	shalt  }
0x3f: {  	_ =	shalt  }
0x40: {  	_ =	shalt  }
0x41: {  	_ =	shalt  }
0x42: {  	_ =	shalt  }
0x43: {  	_ =	shalt  }
0x44: {  	_ =	shalt  }
0x45: {  	_ =	shalt  }
0x46: {  	_ =	shalt  }
0x47: {  	_ =	shalt  }
0x48: {  	_ =	shalt  }
0x49: {  	_ =	shalt  }
0x4a: {  	_ =	shalt  }
0x4b: {  	_ =	shalt  }
0x4c: {  	_ =	shalt  }
0x4d: {  	_ =	shalt  }
0x4e: {  	_ =	shalt  }
0x4f: {  	_ =	shalt  }
0x50: {  	_ =	shalt  }
0x51: {  	_ =	shalt  }
0x52: {  	_ =	shalt  }
0x53: {  	_ =	shalt  }
0x54: {  	_ =	shalt  }
0x55: {  	_ =	shalt  }
0x56: {  	_ =	shalt  }
0x57: {  	_ =	shalt  }
0x58: {  	_ =	shalt  }
0x59: {  	_ =	shalt  }
0x5a: {  	_ =	shalt  }
0x5b: {  	_ =	shalt  }
0x5c: {  	_ =	shalt  }
0x5d: {  	_ =	shalt  }
0x5e: {  	_ =	shalt  }
0x5f: {  	_ =	shalt  }
0x60: {  	_ =	shalt  }
0x61: {  	_ =	shalt  }
0x62: {  	_ =	shalt  }
0x63: {  	_ =	shalt  }
0x64: {  	_ =	shalt  }
0x65: {  	_ =	shalt  }
0x66: {  	_ =	shalt  }
0x67: {  	_ =	shalt  }
0x68: {  	_ =	shalt  }
0x69: {  	_ =	shalt  }
0x6a: {  	_ =	shalt  }
0x6b: {  	_ =	shalt  }
0x6c: {  	_ =	shalt  }
0x6d: {  	_ =	shalt  }
0x6e: {  	_ =	shalt  }
0x6f: {  	_ =	shalt  }
0x70: {  	_ =	shalt  }
0x71: {  	_ =	shalt  }
0x72: {  	_ =	shalt  }
0x73: {  	_ =	shalt  }
0x74: {  	_ =	shalt  }
0x75: {  	_ =	shalt  }
0x76: {  	_ =	shalt  }
0x77: {  	_ =	shalt  }
0x78: {  	_ =	shalt  }
0x79: {  	_ =	shalt  }
0x7a: {  	_ =	shalt  }
0x7b: {  	_ =	shalt  }
0x7c: {  	_ =	shalt  }
0x7d: {  	_ =	shalt  }
0x7e: {  	_ =	shalt  }
0x7f: {  	_ =	shalt  }
0x80: {  	_ =	shalt  }
0x81: {  	_ =	shalt  }
0x82: {  	_ =	shalt  }
0x83: {  	_ =	shalt  }
0x84: {  	_ =	shalt  }
0x85: {  	_ =	shalt  }
0x86: {  	_ =	shalt  }
0x87: {  	_ =	shalt  }
.Lfunc_end0:
.L_simem_size_0:
called_computation_lowered:
.L_overlay_start_0:
0x88: {  	s2 =	sld [smem:$0x3FD9]  }
0x89: {  	s3 =	sld [smem:$0x3FFE];
	_ =	sdelay $0x1  }
0x8a: {  	s1 =	srdreg.scid  }
0x8b: {  	s0 =	sand.u32 $0x1, s1  }
0x8c: {  	s18 =	sshll.u32 s0, $0xA;
	s2 =	sadd.s32 s3, s2  }
0x8d: {  	s2 =	sadd.s32 s2, s18  }
0x8e: {  	[smem:$0x3FC6] =	sst s2  }
0x8f: {  	_ = 	snop  }
0x90: {  	s2 =	sld [smem:$0x3FC9]  }
0x91: {  	s19 =	sld [smem:$0x3FC8]  }
0x92: {  	s4 =	sld [smem:$0x3FD0];
	(tm) =	ssettm $0x1  }
0x93: {  	s5 =	sld [smem:$0x3FFB];
	_ =	sdelay $0x3  }
0x94: {  	_ =	strace s5  }
0x95: {  	s5 =	sld [smem:$0x3FFC];
	_ =	sdelay $0x3  }
0x96: {  	_ =	strace s5  }
0x97: {  	s5 =	sld [smem:$0x3FFD];
	_ =	sdelay $0x3  }
0x98: {  	_ =	strace s5  }
0x99: {  	_ =	strace $0x8FFFFFFF  }
0x9a: {  	s20 =	sld [smem:$0x3FDB];
	_ =	sdelay $0x1  }
0x9b: {  	s6 =	simm.s32 $_scs_section_size  }
0x9c: {  	s7 =	simm.s32 $_size__tile_overlayer_lowered;
	s8 =	simm.s32 $_tile_overlayer_lowered  }
0x9d: {  	s23 =	simm.s32 $0x1BFF;
	s22 =	sshll.u32 s8, $0x1;
	s5 =	sadd.s32 s6, s20  }
0x9e: {  	s9 =	simm.s32 $0x0;
	s21 =	sshll.u32 s7, $0x1;
	s7 =	sadd.s32 s22, s5  }
0x9f: {  	[timem:s9], [sflag:s23] =	dma.local [hbm:s7], s21  }
0xa0: {  	_ =	swait.ge [sflag:s23], s21  }
0xa1: {  	s6 =	ssub.s32 $0x0, s21;
	[sflag:s23] =	ssyncset.done $0x0  }
0xa2: {  	[sflag:s23] =	ssyncadd.s32 s6;
	_ =	sdelay $0x1  }
0xa3: {  	s24 =	simm.s32 $0x1B8B  }
0xa4: {  	_ =	swait.ge [sflag:s24], $0x1  }
0xa5: {  	[sflag:s24] =	ssyncset.done $0x0  }
0xa6: {  	s25 =	simm.s32 $0x1B8E;
	[sflag:s24] =	ssyncadd.s32 $0xFFFFFFFF  }
0xa7: {  	s26 =	simm.s32 $execute0_lowered;
	[smem:$0x3FD2] =	sst s25  }
0xa8: {  	s6 =	sshll.u32 s26, $0x1;
	_ =	strace $0x80000046;
	[dreg:$0x1] =	wrdreg $0xFFFFFFFF  }
0xa9: {  	s28 =	simm.s32 $_size_execute0_lowered;
	s5 =	sadd.s32 s5, s6;
	[dreg:$0x0] =	wrdreg $0x0  }
0xaa: {  	s6 =	sshll.u32 s28, $0x1;
	[dreg:$0x2] =	wrdreg s5  }
0xab: {  	[dreg:$0x3] =	wrdreg s6  }
0xac: {  	[dreg:$0x4] =	wrdreg $0xC0  }
0xad: {  	_ =	task [dreg:s9], $0x5FFFF  }
0xae: {  	[dreg:$0x1] =	wrdreg $0xFFFFFFFF  }
0xaf: {  	[dreg:$0x0] =	wrdreg $0x60  }
0xb0: {  	[dreg:$0x2] =	wrdreg s2  }
0xb1: {  	[dreg:$0x3] =	wrdreg s19  }
0xb2: {  	[dreg:$0x4] =	wrdreg s4  }
0xb3: {  	[dreg:$0x5] =	wrdreg $0x9  }
0xb4: {  	_ =	task.clear_ibuf [dreg:s9], $0x6FFFF;
	_ =	strace $0x90000046  }
0xb5: {  	s29 =	simm.s32 $0x9;
	_ =	strace $0x80000048  }
0xb6: {  	_ =	swait.ge [sflag:s29], $0x1  }
0xb7: {  	[sflag:s29] =	ssyncadd.s32 $0xFFFFFFFF  }
0xb8: {  	_ =	strace $0x90000048  }
0xb9: {  	_ =	sfence  }
0xba: {  	s30 =	sld [smem:$0x0];
	_ =	sdelay $0x2  }
0xbb: {  	s31 =	sshll.u32 s1, $0xD;
	s1 =	sshrl.u32 s1, $0x2  }
0xbc: {  	s3 =	sand.u32 $0x4000, s31;
	s1 =	sadd.s32 s1, s30  }
0xbd: {  	s0 =	sor.u32 s3, s0;
	s1 =	sshll.u32 s1, $0x11  }
0xbe: {  	s0 =	sor.u32 s1, s0  }
0xbf: {  	s0 =	sadd.s32 $0x8F2B, s0  }
0xc0: {  	[sflag:s0] =	ssyncadd.remote.s32 $0x1  }
0xc1: {  	_ =	sfence.sel $0xFFFF  }
0xc2: {  	[dreg:$0x0] =	wrdreg $0xFFFFFFFF;
	(pc) =	sbr.abs _section_cstart, $3  }
0xc3: {  	[dreg:$0x1] =	wrdreg $0xFFFFFFFF  }
0xc4: {  	_ =	task.clear_ibuf [dreg:s9], $0x2FFFF;
	_ =	strace $0x9FFFFFFF  }
0xc5: {  	(tm) =	ssettm $0x7FFFFFFF  }
tec
execute0_lowered:
.L_overlay_start_1:
0x0: {  	(tag) =	ssettag $0x1  }
0x1: {  	s1 =	rddreg [dreg:$0x0]  }
0x2: {  	s7 =	rddreg [dreg:$0x1]  }
0x3: {  	s2 =	srdreg.scid;
	s0 =	stileid.u32  }
0x4: {  	s3 =	rddreg [dreg:$0x2];
	s4 =	simm.s32 $0x0;
	s10 =	simm.s32 $0x1C000  }
0x5: {  	s11 =	simm.s32 $0x5;
	s12 =	simm.s32 $0x20;
	s13 =	simm.s32 $0x18  }
0x6: {  	s14 =	simm.s32 $0x1C020;
	s15 =	simm.s32 $0x8000;
	s16 =	simm.s32 $0xE000  }
0x7: {  	s17 =	simm.s32 $0x16000;
	s18 =	simm.s32 $0x1;
	s19 =	simm.s32 $0x2  }
0x8: {  	s21 =	simm.s32 $0x4;
	s22 =	simm.s32 $0xE;
	s23 =	simm.s32 $0x0  }
0x9: {  	s5 =	sand.u32 $0x1, s2;
	s6 =	sshll.u32 s0, $0x1;
	[smem:$0x7FF] =	sst s4  }
.Ltmp0:
0xa: {  	s20 =	sor.u32 s5, s6;
	s5 =	ssub.s32 $0x2, s5;
	(pc) =	sbr.rel .LBB2_1-.Ltmp0, $4  }
0xb: {  	s2 =	rddreg [dreg:$0x3];
	_ =	strace $0x80000047;
	s8 =	sshrl.u32 s5, $0x1  }
0xc: {  	s6 =	smul.u32 $0x118, s20;
	p0 =	sne.s32 s20, $0x0;
	s9 =	ssub.s32 s5, s8  }
0xd: {  	s5 =	smul.u32 $0x28, s20;
	s8 =	sadd.s32 $0x140000, s3;
	s20 =	simm.s32 $0x3  }
0xe: {  	s6 =	sadd.s32 s7, s6;
	s7 =	sadd.s32 $0x2300, s7;
	s9 =	smax.u32 s9, $0x1  }
.LBB2_11:
0xf: {  	s23 =	sadd.s32 $0x1, s23  }
0x10: {  	p1 =	sne.s32 s23, s9  }
.Ltmp1:
0x11: {  	_ = 	snop;
	(pc) =	sbr.rel @!p1 .LBB2_12-.Ltmp1, $1  }
0x12: {  	_ =	sdelay $0x3  }
.LBB2_1:
0x13: {  	[tilespmem:s10], [sflag:$0x5] =	stream.linear.gather [hbm4b:s6+s4], $0x8C0, $0x38;
	[tilespmem:$0x1C8C0] =	vst v63  }
0x14: {  	_ =	swait.ge [sflag:s11], $0x8C0  }
0x15: {  	[sflag:s11] =	ssyncset.done $0x0  }
0x16: {  	[sflag:s11] =	ssyncadd.s32 $0xFFFFF740  }
0x17: {  	[tilespmem:s4], [sflag:$0x1] =	stream.indirect.gather [hbm4b:s1+s12], $0x400, s10, s12, $0xb8;
	[tilespmem:$0x1C8C0] =	vst v63  }
0x18: {  	s24 =	simm.s32 $0x0  }
0x19: {  	[tilespmem:s15], [sflag:$0x1] =	stream.indirect.gather [hbm4b:s1+s13], $0x400, s14, s13, $0xb8;
	[tilespmem:$0x1C8C0] =	vst v63  }
.LBB2_2:
0x1a: {  	s25 =	sshllo.u32 s24, $0x1;
	p1 =	seq.s32 s24, $0x0  }
0x1b: {  	s26 =	simm.s32 @!p1 $0x4;
	s28 =	smul.u32 $0xE0, s25  }
0x1c: {  	_ =	swait.ge @!p1 [sflag:s26], $0x2000  }
0x1d: {  	[sflag:s26] =	ssyncset.done @!p1 $0x0;
	s28 =	sshra.s32 s28, $0x2  }
0x1e: {  	[sflag:s26] =	ssyncadd.s32 @!p1 $0xFFFFE000;
	s30 =	sadd.s32 $0x1C000, s28  }
0x1f: {  	[tilespmem:s16], [sflag:$0x2] =	stream.indirect.gather [hbm4b:s1+s12], $0x400, s30, s12, $0xb8;
	[tilespmem:$0x1C8C0] =	vst v63  }
0x20: {  	s31 =	sadd.s32 $0x1C020, s28  }
0x21: {  	[tilespmem:s17], [sflag:$0x2] =	stream.indirect.gather [hbm4b:s1+s13], $0x400, s31, s13, $0xb8;
	[tilespmem:$0x1C8C0] =	vst v63  }
0x22: {  	_ =	swait.ge [sflag:s18], $0x8000  }
0x23: {  	[sflag:s18] =	ssyncset.done $0x0  }
0x24: {  	[sflag:s18] =	ssyncadd.s32 $0xFFFF8000  }
0x25: {  	_ =	swait.ge [sflag:s18], $0x6000  }
0x26: {  	[sflag:s18] =	ssyncset.done $0x0  }
0x27: {  	s26 =	simm.s32 $0x0;
	[sflag:s18] =	ssyncadd.s32 $0xFFFFA000  }
0x28: {  	v1 =	vld [tilespmem:s26+$0x6C00]  }
0x29: {  	v2 =	vld [tilespmem:s26+$0x400]  }
0x2a: {  	v3 =	vld [tilespmem:s26+$0xD000]  }
0x2b: {  	v10 =	vld [tilespmem:s26+$0x9C00]  }
0x2c: {  	v4 =	vld [tilespmem:s26+$0xB400]  }
0x2d: {  	v0 =	vld [tilespmem:s26+$0xDC00]  }
0x2e: {  	v5 =	vld [tilespmem:s26+$0xC000]  }
0x2f: {  	v6 =	vld [tilespmem:s26+$0x0]  }
0x30: {  	v9 =	vld [tilespmem:s26+$0x9800]  }
0x31: {  	v7 =	vld [tilespmem:s26+$0x7C00]  }
0x32: {  	v8 =	vld [tilespmem:s26+$0xD800]  }
0x33: {  	v11 =	vld [tilespmem:s26+$0xBC00]  }
0x34: {  	v12 =	vld [tilespmem:s26+$0xCC00]  }
0x35: {  	v13 =	vld [tilespmem:s26+$0xD400]  }
0x36: {  	v14 =	vld [tilespmem:s26+$0x2800]  }
0x37: {  	v15 =	vld [tilespmem:s26+$0x3000]  }
0x38: {  	v16 =	vld [tilespmem:s26+$0x2400]  }
0x39: {  	v17 =	vld [tilespmem:s26+$0xB000]  }
0x3a: {  	v18 =	vld [tilespmem:s26+$0x9400]  }
0x3b: {  	v19 =	vld [tilespmem:s26+$0x7800]  }
0x3c: {  	v20 =	vld [tilespmem:s26+$0x5C00]  }
0x3d: {  	v21 =	vld [tilespmem:s26+$0x4000]  }
0x3e: {  	v22 =	vld [tilespmem:s26+$0x2C00]  }
0x3f: {  	v23 =	vld [tilespmem:s26+$0xC800]  }
0x40: {  	v24 =	vld [tilespmem:s26+$0x6800]  }
0x41: {  	v25 =	vld [tilespmem:s26+$0xC400]  }
0x42: {  	v26 =	vld [tilespmem:s26+$0xAC00]  }
0x43: {  	v27 =	vld [tilespmem:s26+$0x2000]  }
0x44: {  	v28 =	vld [tilespmem:s26+$0xA800]  }
0x45: {  	v29 =	vld [tilespmem:s26+$0xB800]  }
0x46: {  	v30 =	vld [tilespmem:s26+$0x9000]  }
0x47: {  	v31 =	vld [tilespmem:s26+$0x7400]  }
0x48: {  	v32 =	vld [tilespmem:s26+$0x1C00]  }
0x49: {  	v33 =	vld [tilespmem:s26+$0x8C00];
	v23 =	vadd.f32 v23, v25  }
0x4a: {  	v51 =	vld [tilespmem:s26+$0x7000]  }
0x4b: {  	v49 =	vld [tilespmem:s26+$0x6400];
	v12 =	vadd.f32 v12, v23  }
0x4c: {  	v52 =	vld [tilespmem:s26+$0x5800];
	v50 =	vadd.f32 v26, v28  }
0x4d: {  	v53 =	vld [tilespmem:s26+$0x3C00];
	v54 =	vadd.f32 v27, v32;
	v3 =	vadd.f32 v3, v12  }
0x4e: {  	v55 =	vld [tilespmem:s26+$0x3800];
	v57 =	vadd.f32 v30, v33;
	v12 =	vadd.f32 v17, v50  }
0x4f: {  	v56 =	vld [tilespmem:s26+$0x4400];
	v26 =	vadd.f32 v31, v51;
	v3 =	vadd.f32 v13, v3  }
0x50: {  	v2 =	vadd.f32 v2, v6;
	v4 =	vadd.f32 v4, v12;
	v12 =	vld [tilespmem:s26+$0x5400]  }
0x51: {  	v13 =	vadd.f32 v16, v54;
	v3 =	vadd.f32 v8, v3;
	v8 =	vld [tilespmem:s26+$0x800]  }
0x52: {  	v58 =	vld [tilespmem:s26+$0xC00];
	v18 =	vadd.f32 v18, v57;
	v4 =	vadd.f32 v29, v4  }
0x53: {  	v59 =	vld [tilespmem:s26+$0x4800];
	v6 =	vadd.f32 v19, v26;
	v13 =	vadd.f32 v14, v13  }
0x54: {  	v17 =	vadd.f32 v53, v55;
	v14 =	vld [tilespmem:s26+$0x6000];
	v11 =	vadd.f32 v11, v4  }
0x55: {  	v60 =	vld [tilespmem:s26+$0x1000];
	v13 =	vadd.f32 v22, v13;
	v12 =	vadd.f32 v52, v12  }
0x56: {  	v61 =	vld [tilespmem:s26+$0x3400];
	v5 =	vadd.f32 v5, v11;
	v2 =	vadd.f32 v8, v2  }
0x57: {  	v11 =	vadd.f32 v21, v17;
	v8 =	vld [tilespmem:s26+$0x1400];
	v12 =	vadd.f32 v20, v12  }
0x58: {  	v13 =	vadd.f32 v15, v13;
	v15 =	vld [tilespmem:s26+$0x1800];
	v2 =	vadd.f32 v58, v2  }
0x59: {  	v62 =	vadd.f32 v7, v6;
	v5 =	vmul.f32 $1.428571490e-01, v5;
	v12 =	vadd.f32 v14, v12;
	v14 =	vld [tilespmem:s26+$0x8000]  }
0x5a: {  	v4 =	vld [tilespmem:s26+$0x4C00];
	v11 =	vadd.f32 v56, v11;
	v2 =	vadd.f32 v60, v2  }
0x5b: {  	v13 =	vadd.f32 v61, v13;
	[tilespmem:s26+$0x1800] =	vst v5;
	v5 =	vld [tilespmem:s26+$0xA000];
	v6 =	vadd.f32 v49, v12  }
0x5c: {  	v7 =	vadd.f32 v59, v11;
	v2 =	vadd.f32 v8, v2;
	v8 =	vld [tilespmem:s26+$0x8400]  }
0x5d: {  	v12 =	vadd.f32 v9, v18;
	v9 =	vld [tilespmem:s26+$0x5000];
	v63 =	vadd.f32 v24, v6  }
0x5e: {  	v6 =	vld [tilespmem:s26+$0x8800];
	v14 =	vadd.f32 v14, v62;
	v11 =	vadd.f32 v15, v2  }
0x5f: {  	s29 =	simm.s32 $0x40;
	s28 =	sshll.u32 s24, $0x1;
	v2 =	vadd.f32 v10, v12;
	v12 =	vmul.f32 $1.428571490e-01, v13;
	v13 =	vadd.f32 v1, v63;
	v10 =	vld [tilespmem:s26+$0xA400]  }
.LBB2_3:
0x60: {  	s30 =	sshra.s32 s29, $0x2;
	p1 =	sne.s32 s29, $0xFC0;
	s29 =	sadd.s32 $0x40, s29;
	v11 =	vmul.f32 $1.428571490e-01, v11;
	v4 =	vadd.f32 v4, v7;
	v0 =	vadd.f32 v0, v3  }
0x61: {  	v1 =	vld [tilespmem:s30+$0x6C00];
	[tilespmem:s26+$0x400] =	vst v12;
	v3 =	vmul.f32 $1.428571490e-01, v13;
	v7 =	vadd.f32 v8, v14  }
0x62: {  	v5 =	vadd.f32 v5, v2;
	v8 =	vld [tilespmem:s30+$0x400];
	[tilespmem:s26+$0x0] =	vst v11;
	v4 =	vadd.f32 v9, v4;
	v0 =	vmul.f32 $1.428571490e-01, v0  }
0x63: {  	v9 =	vld [tilespmem:s30+$0xD000];
	[tilespmem:s26+$0xC00] =	vst v3;
	v3 =	vadd.f32 v6, v7  }
0x64: {  	v2 =	vld [tilespmem:s30+$0x9C00];
	v4 =	vmul.f32 $1.428571490e-01, v4;
	v5 =	vadd.f32 v10, v5;
	[tilespmem:s26+$0x1C00] =	vst v0  }
0x65: {  	v6 =	vld [tilespmem:s30+$0xB400];
	v3 =	vmul.f32 $1.428571490e-01, v3  }
0x66: {  	v0 =	vld [tilespmem:s30+$0xDC00];
	[tilespmem:s26+$0x800] =	vst v4;
	v4 =	vmul.f32 $1.428571490e-01, v5  }
0x67: {  	v5 =	vld [tilespmem:s30+$0xC000];
	[tilespmem:s26+$0x1000] =	vst v3  }
0x68: {  	v7 =	vld [tilespmem:s30+$0x0];
	[tilespmem:s26+$0x1400] =	vst v4;
	s26 =	smov.u32 s30  }
0x69: {  	v10 =	vld [tilespmem:s26+$0x9800]  }
0x6a: {  	v11 =	vld [tilespmem:s26+$0x7C00]  }
0x6b: {  	v3 =	vld [tilespmem:s26+$0xD800]  }
0x6c: {  	v4 =	vld [tilespmem:s26+$0xBC00]  }
0x6d: {  	v12 =	vld [tilespmem:s26+$0xCC00]  }
0x6e: {  	v13 =	vld [tilespmem:s26+$0xD400]  }
0x6f: {  	v14 =	vld [tilespmem:s26+$0x2800]  }
0x70: {  	v15 =	vld [tilespmem:s26+$0x3000]  }
0x71: {  	v16 =	vld [tilespmem:s26+$0x2400]  }
0x72: {  	v17 =	vld [tilespmem:s26+$0xB000]  }
0x73: {  	v18 =	vld [tilespmem:s26+$0x9400]  }
0x74: {  	v19 =	vld [tilespmem:s26+$0x7800]  }
0x75: {  	v20 =	vld [tilespmem:s26+$0x5C00]  }
0x76: {  	v21 =	vld [tilespmem:s26+$0x4000]  }
0x77: {  	v22 =	vld [tilespmem:s26+$0x2C00]  }
0x78: {  	v23 =	vld [tilespmem:s26+$0xC800]  }
0x79: {  	v24 =	vld [tilespmem:s26+$0x6800]  }
0x7a: {  	v25 =	vld [tilespmem:s26+$0xC400]  }
0x7b: {  	v26 =	vld [tilespmem:s26+$0xAC00]  }
0x7c: {  	v27 =	vld [tilespmem:s26+$0x2000]  }
0x7d: {  	v28 =	vld [tilespmem:s26+$0xA800]  }
0x7e: {  	v29 =	vld [tilespmem:s26+$0xB800]  }
0x7f: {  	v30 =	vld [tilespmem:s26+$0x9000];
	v23 =	vadd.f32 v23, v25  }
0x80: {  	v25 =	vld [tilespmem:s26+$0x7400]  }
0x81: {  	v31 =	vld [tilespmem:s26+$0x1C00];
	v12 =	vadd.f32 v12, v23  }
0x82: {  	v23 =	vld [tilespmem:s26+$0x6400];
	v26 =	vadd.f32 v26, v28  }
0x83: {  	v28 =	vld [tilespmem:s26+$0x8C00];
	v9 =	vadd.f32 v9, v12  }
0x84: {  	v12 =	vld [tilespmem:s26+$0x7000];
	v17 =	vadd.f32 v17, v26  }
0x85: {  	v26 =	vld [tilespmem:s26+$0x5800];
	v9 =	vadd.f32 v13, v9  }
0x86: {  	v13 =	vadd.f32 v27, v31;
	v27 =	vld [tilespmem:s26+$0x3C00];
	v6 =	vadd.f32 v6, v17  }
0x87: {  	v17 =	vld [tilespmem:s26+$0x3800];
	v3 =	vadd.f32 v3, v9  }
0x88: {  	v9 =	vadd.f32 v16, v13;
	v13 =	vld [tilespmem:s26+$0x5400]  }
0x89: {  	v28 =	vadd.f32 v30, v28;
	v6 =	vadd.f32 v29, v6;
	v16 =	vld [tilespmem:s26+$0x4400]  }
0x8a: {  	v12 =	vadd.f32 v25, v12;
	v29 =	vld [tilespmem:s26+$0x800];
	v9 =	vadd.f32 v14, v9  }
0x8b: {  	v6 =	vadd.f32 v4, v6;
	v14 =	vld [tilespmem:s26+$0x6000]  }
0x8c: {  	v18 =	vadd.f32 v18, v28;
	v25 =	vld [tilespmem:s26+$0xC00];
	v9 =	vadd.f32 v22, v9  }
0x8d: {  	v4 =	vadd.f32 v8, v7;
	v8 =	vadd.f32 v19, v12;
	v7 =	vld [tilespmem:s26+$0x4800]  }
0x8e: {  	v17 =	vadd.f32 v27, v17;
	v13 =	vadd.f32 v26, v13;
	v12 =	vld [tilespmem:s26+$0x1000]  }
0x8f: {  	v5 =	vadd.f32 v5, v6;
	v19 =	vadd.f32 v29, v4;
	v4 =	vld [tilespmem:s26+$0x4C00]  }
0x90: {  	v17 =	vadd.f32 v21, v17;
	v13 =	vadd.f32 v20, v13;
	v6 =	vld [tilespmem:s26+$0x1400]  }
0x91: {  	v9 =	vadd.f32 v15, v9;
	v5 =	vmul.f32 $1.428571490e-01, v5;
	v19 =	vadd.f32 v25, v19;
	v15 =	vld [tilespmem:s26+$0x3400]  }
0x92: {  	v16 =	vadd.f32 v16, v17;
	v13 =	vadd.f32 v14, v13;
	v20 =	vld [tilespmem:s26+$0x1800]  }
0x93: {  	v14 =	vadd.f32 v11, v8;
	v12 =	vadd.f32 v12, v19;
	v17 =	vld [tilespmem:s26+$0x8000];
	[tilespmem:s26+$0x1800] =	vst v5  }
.Ltmp2:
0x94: {  	v7 =	vadd.f32 v7, v16;
	v11 =	vadd.f32 v23, v13;
	v5 =	vld [tilespmem:s26+$0xA000];
	(pc) =	sbr.rel @p1 .LBB2_3-.Ltmp2, $4  }
0x95: {  	v10 =	vadd.f32 v10, v18;
	v6 =	vadd.f32 v6, v12;
	v8 =	vld [tilespmem:s26+$0x8400]  }
0x96: {  	v13 =	vadd.f32 v24, v11;
	v12 =	vadd.f32 v15, v9;
	v9 =	vld [tilespmem:s26+$0x5000]  }
0x97: {  	v2 =	vadd.f32 v2, v10;
	v11 =	vadd.f32 v20, v6;
	v6 =	vld [tilespmem:s26+$0x8800]  }
0x98: {  	v13 =	vadd.f32 v1, v13;
	v12 =	vmul.f32 $1.428571490e-01, v12;
	v14 =	vadd.f32 v17, v14;
	v10 =	vld [tilespmem:s26+$0xA400]  }
0x99: {  	v1 =	vadd.f32 v4, v7  }
0x9a: {  	v4 =	vmul.f32 $1.428571490e-01, v11;
	v0 =	vadd.f32 v0, v3;
	v3 =	vadd.f32 v8, v14  }
0x9b: {  	v2 =	vadd.f32 v5, v2;
	[tilespmem:s26+$0x400] =	vst v12;
	v7 =	vmul.f32 $1.428571490e-01, v13;
	v1 =	vadd.f32 v9, v1  }
0x9c: {  	[tilespmem:s26+$0x0] =	vst v4;
	v0 =	vmul.f32 $1.428571490e-01, v0;
	v3 =	vadd.f32 v6, v3  }
0x9d: {  	[tilespmem:s26+$0xC00] =	vst v7;
	v1 =	vmul.f32 $1.428571490e-01, v1;
	v2 =	vadd.f32 v10, v2  }
0x9e: {  	[tilespmem:s26+$0x1C00] =	vst v0;
	v0 =	vmul.f32 $1.428571490e-01, v3  }
0x9f: {  	s28 =	sadd.s32 s5, s28;
	[tilespmem:s26+$0x800] =	vst v1;
	v1 =	vmul.f32 $1.428571490e-01, v2  }
0xa0: {  	p1 =	seq.s32 s24, $0x13;
	s28 =	sshll.u32 s28, $0xA;
	[tilespmem:s26+$0x1000] =	vst v0  }
0xa1: {  	s31 =	sadd.s32 s3, s28;
	[tilespmem:s26+$0x1400] =	vst v1;
	s26 =	simm.s32 @!p1 $0x3  }
0xa2: {  	[hbm4b:s31+s4] =	stream.linear.scatter [tilespmem:s4], [sflag:$0x3], $0x2000, $0x38;
	[tilespmem:$0x1C8C0] =	vst v63  }
0xa3: {  	s28 =	smul.u32 @!p1 $0x1C0, s24;
	_ =	swait.ge @!p1 [sflag:s26], $0x2000  }
0xa4: {  	[sflag:s26] =	ssyncset.done @!p1 $0x0  }
0xa5: {  	[sflag:s26] =	ssyncadd.s32 @!p1 $0xFFFFE000;
	s26 =	sshra.s32 @!p1 s28, $0x2  }
0xa6: {  	s29 =	simm.s32 @!p1 $0x20;
	s30 =	simm.s32 @!p1 $0x0;
	s28 =	sadd.s32 @!p1 $0x1C070, s26  }
0xa7: {  	[tilespmem:s30], [sflag:$0x1] =	stream.indirect.gather @!p1 [hbm4b:s1+s29], $0x400, s28, s29, $0xb8;
	[tilespmem:$0x1C8C0] =	vst v63  }
0xa8: {  	s26 =	sadd.s32 @!p1 $0x1C090, s26;
	s28 =	simm.s32 @!p1 $0x18;
	s29 =	simm.s32 @!p1 $0x8000  }
0xa9: {  	[tilespmem:s29], [sflag:$0x1] =	stream.indirect.gather @!p1 [hbm4b:s1+s28], $0x400, s26, s28, $0xb8;
	[tilespmem:$0x1C8C0] =	vst v63  }
0xaa: {  	_ =	swait.ge [sflag:s19], $0x8000  }
0xab: {  	[sflag:s19] =	ssyncset.done $0x0  }
0xac: {  	[sflag:s19] =	ssyncadd.s32 $0xFFFF8000  }
0xad: {  	_ =	swait.ge [sflag:s19], $0x6000  }
0xae: {  	[sflag:s19] =	ssyncset.done $0x0  }
0xaf: {  	s26 =	simm.s32 $0x0;
	[sflag:s19] =	ssyncadd.s32 $0xFFFFA000  }
0xb0: {  	v1 =	vld [tilespmem:s26+$0x14C00]  }
0xb1: {  	v2 =	vld [tilespmem:s26+$0xE400]  }
0xb2: {  	v3 =	vld [tilespmem:s26+$0x1B000]  }
0xb3: {  	v10 =	vld [tilespmem:s26+$0x17C00]  }
0xb4: {  	v4 =	vld [tilespmem:s26+$0x19400]  }
0xb5: {  	v0 =	vld [tilespmem:s26+$0x1BC00]  }
0xb6: {  	v5 =	vld [tilespmem:s26+$0x1A000]  }
0xb7: {  	v6 =	vld [tilespmem:s26+$0xE000]  }
0xb8: {  	v9 =	vld [tilespmem:s26+$0x17800]  }
0xb9: {  	v7 =	vld [tilespmem:s26+$0x15C00]  }
0xba: {  	v8 =	vld [tilespmem:s26+$0x1B800]  }
0xbb: {  	v11 =	vld [tilespmem:s26+$0x19C00]  }
0xbc: {  	v12 =	vld [tilespmem:s26+$0x1AC00]  }
0xbd: {  	v13 =	vld [tilespmem:s26+$0x1B400]  }
0xbe: {  	v14 =	vld [tilespmem:s26+$0x10800]  }
0xbf: {  	v15 =	vld [tilespmem:s26+$0x11000]  }
0xc0: {  	v16 =	vld [tilespmem:s26+$0x10400]  }
0xc1: {  	v17 =	vld [tilespmem:s26+$0x19000]  }
0xc2: {  	v18 =	vld [tilespmem:s26+$0x17400]  }
0xc3: {  	v19 =	vld [tilespmem:s26+$0x15800]  }
0xc4: {  	v20 =	vld [tilespmem:s26+$0x13C00]  }
0xc5: {  	v21 =	vld [tilespmem:s26+$0x12000]  }
0xc6: {  	v22 =	vld [tilespmem:s26+$0x10C00]  }
0xc7: {  	v23 =	vld [tilespmem:s26+$0x1A800]  }
0xc8: {  	v24 =	vld [tilespmem:s26+$0x14800]  }
0xc9: {  	v25 =	vld [tilespmem:s26+$0x1A400]  }
0xca: {  	v26 =	vld [tilespmem:s26+$0x18C00]  }
0xcb: {  	v27 =	vld [tilespmem:s26+$0x10000]  }
0xcc: {  	v28 =	vld [tilespmem:s26+$0x18800]  }
0xcd: {  	v29 =	vld [tilespmem:s26+$0x19800]  }
0xce: {  	v30 =	vld [tilespmem:s26+$0x17000]  }
0xcf: {  	v31 =	vld [tilespmem:s26+$0x15400]  }
0xd0: {  	v32 =	vld [tilespmem:s26+$0xFC00]  }
0xd1: {  	v33 =	vld [tilespmem:s26+$0x16C00];
	v23 =	vadd.f32 v23, v25  }
0xd2: {  	v51 =	vld [tilespmem:s26+$0x15000]  }
0xd3: {  	v49 =	vld [tilespmem:s26+$0x14400];
	v12 =	vadd.f32 v12, v23  }
0xd4: {  	v52 =	vld [tilespmem:s26+$0x13800];
	v50 =	vadd.f32 v26, v28  }
0xd5: {  	v53 =	vld [tilespmem:s26+$0x11C00];
	v54 =	vadd.f32 v27, v32;
	v3 =	vadd.f32 v3, v12  }
0xd6: {  	v55 =	vld [tilespmem:s26+$0x11800];
	v57 =	vadd.f32 v30, v33;
	v12 =	vadd.f32 v17, v50  }
0xd7: {  	v56 =	vld [tilespmem:s26+$0x12400];
	v26 =	vadd.f32 v31, v51;
	v3 =	vadd.f32 v13, v3  }
0xd8: {  	v2 =	vadd.f32 v2, v6;
	v4 =	vadd.f32 v4, v12;
	v12 =	vld [tilespmem:s26+$0x13400]  }
0xd9: {  	v13 =	vadd.f32 v16, v54;
	v3 =	vadd.f32 v8, v3;
	v8 =	vld [tilespmem:s26+$0xE800]  }
0xda: {  	v58 =	vld [tilespmem:s26+$0xEC00];
	v18 =	vadd.f32 v18, v57;
	v4 =	vadd.f32 v29, v4  }
0xdb: {  	v59 =	vld [tilespmem:s26+$0x12800];
	v6 =	vadd.f32 v19, v26;
	v13 =	vadd.f32 v14, v13  }
0xdc: {  	v17 =	vadd.f32 v53, v55;
	v14 =	vld [tilespmem:s26+$0x14000];
	v11 =	vadd.f32 v11, v4  }
0xdd: {  	v60 =	vld [tilespmem:s26+$0xF000];
	v13 =	vadd.f32 v22, v13;
	v12 =	vadd.f32 v52, v12  }
0xde: {  	v61 =	vld [tilespmem:s26+$0x11400];
	v5 =	vadd.f32 v5, v11;
	v2 =	vadd.f32 v8, v2  }
0xdf: {  	v11 =	vadd.f32 v21, v17;
	v8 =	vld [tilespmem:s26+$0xF400];
	v12 =	vadd.f32 v20, v12  }
0xe0: {  	v13 =	vadd.f32 v15, v13;
	v15 =	vld [tilespmem:s26+$0xF800];
	v2 =	vadd.f32 v58, v2  }
0xe1: {  	v62 =	vadd.f32 v7, v6;
	v5 =	vmul.f32 $1.428571490e-01, v5;
	v12 =	vadd.f32 v14, v12;
	v14 =	vld [tilespmem:s26+$0x16000]  }
0xe2: {  	v4 =	vld [tilespmem:s26+$0x12C00];
	v11 =	vadd.f32 v56, v11;
	v2 =	vadd.f32 v60, v2  }
0xe3: {  	v13 =	vadd.f32 v61, v13;
	[tilespmem:s26+$0xF800] =	vst v5;
	v5 =	vld [tilespmem:s26+$0x18000];
	v6 =	vadd.f32 v49, v12  }
0xe4: {  	v7 =	vadd.f32 v59, v11;
	v2 =	vadd.f32 v8, v2;
	v8 =	vld [tilespmem:s26+$0x16400]  }
0xe5: {  	v12 =	vadd.f32 v9, v18;
	v9 =	vld [tilespmem:s26+$0x13000];
	v63 =	vadd.f32 v24, v6  }
0xe6: {  	v6 =	vld [tilespmem:s26+$0x16800];
	v14 =	vadd.f32 v14, v62;
	v11 =	vadd.f32 v15, v2  }
0xe7: {  	s28 =	simm.s32 $0x40;
	v2 =	vadd.f32 v10, v12;
	v12 =	vmul.f32 $1.428571490e-01, v13;
	v13 =	vadd.f32 v1, v63;
	v10 =	vld [tilespmem:s26+$0x18400]  }
.LBB2_5:
0xe8: {  	s29 =	sshra.s32 s28, $0x2;
	p1 =	sne.s32 s28, $0xFC0;
	s28 =	sadd.s32 $0x40, s28;
	v11 =	vmul.f32 $1.428571490e-01, v11;
	v4 =	vadd.f32 v4, v7;
	v0 =	vadd.f32 v0, v3  }
0xe9: {  	v1 =	vld [tilespmem:s29+$0x14C00];
	[tilespmem:s26+$0xE400] =	vst v12;
	v3 =	vmul.f32 $1.428571490e-01, v13;
	v7 =	vadd.f32 v8, v14  }
0xea: {  	v5 =	vadd.f32 v5, v2;
	v8 =	vld [tilespmem:s29+$0xE400];
	[tilespmem:s26+$0xE000] =	vst v11;
	v4 =	vadd.f32 v9, v4;
	v0 =	vmul.f32 $1.428571490e-01, v0  }
0xeb: {  	v9 =	vld [tilespmem:s29+$0x1B000];
	[tilespmem:s26+$0xEC00] =	vst v3;
	v3 =	vadd.f32 v6, v7  }
0xec: {  	v2 =	vld [tilespmem:s29+$0x17C00];
	v4 =	vmul.f32 $1.428571490e-01, v4;
	v5 =	vadd.f32 v10, v5;
	[tilespmem:s26+$0xFC00] =	vst v0  }
0xed: {  	v6 =	vld [tilespmem:s29+$0x19400];
	v3 =	vmul.f32 $1.428571490e-01, v3  }
0xee: {  	v0 =	vld [tilespmem:s29+$0x1BC00];
	[tilespmem:s26+$0xE800] =	vst v4;
	v4 =	vmul.f32 $1.428571490e-01, v5  }
0xef: {  	v5 =	vld [tilespmem:s29+$0x1A000];
	[tilespmem:s26+$0xF000] =	vst v3  }
0xf0: {  	v7 =	vld [tilespmem:s29+$0xE000];
	[tilespmem:s26+$0xF400] =	vst v4;
	s26 =	smov.u32 s29  }
0xf1: {  	v10 =	vld [tilespmem:s26+$0x17800]  }
0xf2: {  	v11 =	vld [tilespmem:s26+$0x15C00]  }
0xf3: {  	v3 =	vld [tilespmem:s26+$0x1B800]  }
0xf4: {  	v4 =	vld [tilespmem:s26+$0x19C00]  }
0xf5: {  	v12 =	vld [tilespmem:s26+$0x1AC00]  }
0xf6: {  	v13 =	vld [tilespmem:s26+$0x1B400]  }
0xf7: {  	v14 =	vld [tilespmem:s26+$0x10800]  }
0xf8: {  	v15 =	vld [tilespmem:s26+$0x11000]  }
0xf9: {  	v16 =	vld [tilespmem:s26+$0x10400]  }
0xfa: {  	v17 =	vld [tilespmem:s26+$0x19000]  }
0xfb: {  	v18 =	vld [tilespmem:s26+$0x17400]  }
0xfc: {  	v19 =	vld [tilespmem:s26+$0x15800]  }
0xfd: {  	v20 =	vld [tilespmem:s26+$0x13C00]  }
0xfe: {  	v21 =	vld [tilespmem:s26+$0x12000]  }
0xff: {  	v22 =	vld [tilespmem:s26+$0x10C00]  }
0x100: {  	v23 =	vld [tilespmem:s26+$0x1A800]  }
0x101: {  	v24 =	vld [tilespmem:s26+$0x14800]  }
0x102: {  	v25 =	vld [tilespmem:s26+$0x1A400]  }
0x103: {  	v26 =	vld [tilespmem:s26+$0x18C00]  }
0x104: {  	v27 =	vld [tilespmem:s26+$0x10000]  }
0x105: {  	v28 =	vld [tilespmem:s26+$0x18800]  }
0x106: {  	v29 =	vld [tilespmem:s26+$0x19800]  }
0x107: {  	v30 =	vld [tilespmem:s26+$0x17000];
	v23 =	vadd.f32 v23, v25  }
0x108: {  	v25 =	vld [tilespmem:s26+$0x15400]  }
0x109: {  	v31 =	vld [tilespmem:s26+$0xFC00];
	v12 =	vadd.f32 v12, v23  }
0x10a: {  	v23 =	vld [tilespmem:s26+$0x14400];
	v26 =	vadd.f32 v26, v28  }
0x10b: {  	v28 =	vld [tilespmem:s26+$0x16C00];
	v9 =	vadd.f32 v9, v12  }
0x10c: {  	v12 =	vld [tilespmem:s26+$0x15000];
	v17 =	vadd.f32 v17, v26  }
0x10d: {  	v26 =	vld [tilespmem:s26+$0x13800];
	v9 =	vadd.f32 v13, v9  }
0x10e: {  	v13 =	vadd.f32 v27, v31;
	v27 =	vld [tilespmem:s26+$0x11C00];
	v6 =	vadd.f32 v6, v17  }
0x10f: {  	v17 =	vld [tilespmem:s26+$0x11800];
	v3 =	vadd.f32 v3, v9  }
0x110: {  	v9 =	vadd.f32 v16, v13;
	v13 =	vld [tilespmem:s26+$0x13400]  }
0x111: {  	v28 =	vadd.f32 v30, v28;
	v6 =	vadd.f32 v29, v6;
	v16 =	vld [tilespmem:s26+$0x12400]  }
0x112: {  	v12 =	vadd.f32 v25, v12;
	v29 =	vld [tilespmem:s26+$0xE800];
	v9 =	vadd.f32 v14, v9  }
0x113: {  	v6 =	vadd.f32 v4, v6;
	v14 =	vld [tilespmem:s26+$0x14000]  }
0x114: {  	v18 =	vadd.f32 v18, v28;
	v25 =	vld [tilespmem:s26+$0xEC00];
	v9 =	vadd.f32 v22, v9  }
0x115: {  	v4 =	vadd.f32 v8, v7;
	v8 =	vadd.f32 v19, v12;
	v7 =	vld [tilespmem:s26+$0x12800]  }
0x116: {  	v17 =	vadd.f32 v27, v17;
	v13 =	vadd.f32 v26, v13;
	v12 =	vld [tilespmem:s26+$0xF000]  }
0x117: {  	v5 =	vadd.f32 v5, v6;
	v19 =	vadd.f32 v29, v4;
	v4 =	vld [tilespmem:s26+$0x12C00]  }
0x118: {  	v17 =	vadd.f32 v21, v17;
	v13 =	vadd.f32 v20, v13;
	v6 =	vld [tilespmem:s26+$0xF400]  }
0x119: {  	v9 =	vadd.f32 v15, v9;
	v5 =	vmul.f32 $1.428571490e-01, v5;
	v19 =	vadd.f32 v25, v19;
	v15 =	vld [tilespmem:s26+$0x11400]  }
0x11a: {  	v16 =	vadd.f32 v16, v17;
	v13 =	vadd.f32 v14, v13;
	v20 =	vld [tilespmem:s26+$0xF800]  }
0x11b: {  	v14 =	vadd.f32 v11, v8;
	v12 =	vadd.f32 v12, v19;
	v17 =	vld [tilespmem:s26+$0x16000];
	[tilespmem:s26+$0xF800] =	vst v5  }
.Ltmp3:
0x11c: {  	v7 =	vadd.f32 v7, v16;
	v11 =	vadd.f32 v23, v13;
	v5 =	vld [tilespmem:s26+$0x18000];
	(pc) =	sbr.rel @p1 .LBB2_5-.Ltmp3, $4  }
0x11d: {  	v10 =	vadd.f32 v10, v18;
	v6 =	vadd.f32 v6, v12;
	v8 =	vld [tilespmem:s26+$0x16400]  }
0x11e: {  	v13 =	vadd.f32 v24, v11;
	v12 =	vadd.f32 v15, v9;
	v9 =	vld [tilespmem:s26+$0x13000]  }
0x11f: {  	v2 =	vadd.f32 v2, v10;
	v11 =	vadd.f32 v20, v6;
	v6 =	vld [tilespmem:s26+$0x16800]  }
0x120: {  	v13 =	vadd.f32 v1, v13;
	v12 =	vmul.f32 $1.428571490e-01, v12;
	v14 =	vadd.f32 v17, v14;
	v10 =	vld [tilespmem:s26+$0x18400]  }
0x121: {  	v1 =	vadd.f32 v4, v7  }
0x122: {  	v59 =	vmul.f32 $1.428571490e-01, v11;
	v0 =	vadd.f32 v0, v3;
	v60 =	vadd.f32 v8, v14  }
0x123: {  	v2 =	vadd.f32 v5, v2;
	[tilespmem:s26+$0xE400] =	vst v12;
	v61 =	vmul.f32 $1.428571490e-01, v13;
	v1 =	vadd.f32 v9, v1  }
0x124: {  	s24 =	sadd.s32 $0x1, s24;
	[tilespmem:s26+$0xE000] =	vst v59;
	v0 =	vmul.f32 $1.428571490e-01, v0;
	v3 =	vadd.f32 v6, v60  }
0x125: {  	p1 =	sne.s32 s24, $0x14;
	[tilespmem:s26+$0xEC00] =	vst v61;
	v1 =	vmul.f32 $1.428571490e-01, v1;
	v2 =	vadd.f32 v10, v2  }
.Ltmp4:
0x126: {  	s25 =	sadd.s32 s5, s25;
	[tilespmem:s26+$0xFC00] =	vst v0;
	v62 =	vmul.f32 $1.428571490e-01, v3;
	(pc) =	sbr.rel @p1 .LBB2_2-.Ltmp4, $4  }
0x127: {  	s25 =	sshll.u32 s25, $0xA;
	[tilespmem:s26+$0xE800] =	vst v1;
	v63 =	vmul.f32 $1.428571490e-01, v2  }
0x128: {  	s25 =	sand.u32 $0x1FFFFC00, s25;
	[tilespmem:s26+$0xF000] =	vst v62  }
0x129: {  	s25 =	sadd.s32 s3, s25;
	[tilespmem:s26+$0xF400] =	vst v63  }
0x12a: {  	[hbm4b:s25+s4] =	stream.linear.scatter [tilespmem:s16], [sflag:$0x4], $0x2000, $0x38;
	[tilespmem:$0x1C8C0] =	vst v63  }
0x12b: {  	_ =	swait.ge [sflag:s20], $0x2000  }
.Ltmp5:
0x12c: {  	[sflag:s20] =	ssyncset.done $0x0;
	(pc) =	sbr.rel @p0 .LBB2_11-.Ltmp5, $4  }
0x12d: {  	[sflag:s20] =	ssyncadd.s32 $0xFFFFE000  }
0x12e: {  	_ =	swait.ge [sflag:s21], $0x2000  }
0x12f: {  	[sflag:s21] =	ssyncset.done $0x0  }
0x130: {  	[sflag:s21] =	ssyncadd.s32 $0xFFFFE000  }
0x131: {  	[tilespmem:s10], [sflag:$0x5] =	stream.linear.gather [hbm4b:s7+s4], $0xE, $0x38;
	[tilespmem:$0x1C8C0] =	vst v63  }
0x132: {  	_ =	swait.ge [sflag:s11], $0xE  }
0x133: {  	[sflag:s11] =	ssyncset.done $0x0  }
0x134: {  	[sflag:s11] =	ssyncadd.s32 $0xFFFFFFF2  }
0x135: {  	[tilespmem:s4], [sflag:$0x1] =	stream.indirect.gather [hbm4b:s1+s22], $0x400, s10, s22, $0xb8;
	[tilespmem:$0x1C8C0] =	vst v63  }
0x136: {  	_ =	swait.ge [sflag:s18], $0x3800  }
0x137: {  	[sflag:s18] =	ssyncset.done $0x0  }
0x138: {  	s24 =	simm.s32 $0xFFFFFC00;
	[sflag:s18] =	ssyncadd.s32 $0xFFFFC800  }
0x139: {  	v1 =	vld [tilespmem:s24+$0x2000]  }
0x13a: {  	v2 =	vld [tilespmem:s24+$0x2400]  }
0x13b: {  	v0 =	vld [tilespmem:s24+$0x2800]  }
0x13c: {  	v3 =	vld [tilespmem:s24+$0x800]  }
0x13d: {  	v4 =	vld [tilespmem:s24+$0x400]  }
0x13e: {  	v5 =	vld [tilespmem:s24+$0x2C00]  }
0x13f: {  	v6 =	vld [tilespmem:s24+$0xC00];
	v1 =	vadd.f32 v2, v1  }
0x140: {  	v2 =	vld [tilespmem:s24+$0x3000]  }
0x141: {  	v7 =	vld [tilespmem:s24+$0x1000];
	v0 =	vadd.f32 v0, v1  }
0x142: {  	v3 =	vadd.f32 v3, v4;
	v1 =	vld [tilespmem:s24+$0x3400]  }
0x143: {  	v61 =	vld [tilespmem:s24+$0x1400];
	v0 =	vadd.f32 v5, v0  }
0x144: {  	v62 =	vld [tilespmem:s24+$0x1800];
	v3 =	vadd.f32 v6, v3  }
0x145: {  	v63 =	vld [tilespmem:s24+$0x3800];
	v0 =	vadd.f32 v2, v0  }
0x146: {  	v3 =	vadd.f32 v7, v3  }
0x147: {  	v1 =	vadd.f32 v1, v0;
	v0 =	vld [tilespmem:s24+$0x1C00]  }
0x148: {  	v2 =	vadd.f32 v61, v3;
	_ =	sdelay $0x1  }
0x149: {  	s25 =	simm.s32 $0xFFFFF040;
	s26 =	simm.s32 $0xFFFFF080;
	v2 =	vadd.f32 v62, v2;
	v1 =	vadd.f32 v63, v1  }
.LBB2_9:
0x14a: {  	p1 =	sne.s32 s26, $0xFFFFFFC0  }
0x14b: {  	s28 =	sshra.s32 s25, $0x2;
	s25 =	smov.u32 s26;
	s26 =	sadd.s32 $0x40, s26;
	v0 =	vadd.f32 v0, v2  }
0x14c: {  	v1 =	vmul.f32 $1.428571490e-01, v1;
	v2 =	vld [tilespmem:s28+$0x2800]  }
0x14d: {  	v3 =	vld [tilespmem:s28+$0x2000];
	v0 =	vmul.f32 $1.428571490e-01, v0  }
0x14e: {  	v4 =	vld [tilespmem:s28+$0x2400];
	[tilespmem:s24+$0x800] =	vst v1  }
0x14f: {  	v1 =	vld [tilespmem:s28+$0x800];
	[tilespmem:s24+$0x400] =	vst v0;
	s24 =	smov.u32 s28  }
0x150: {  	v0 =	vld [tilespmem:s24+$0x400]  }
0x151: {  	v5 =	vld [tilespmem:s24+$0x2C00]  }
0x152: {  	v6 =	vld [tilespmem:s24+$0xC00]  }
0x153: {  	v7 =	vld [tilespmem:s24+$0x1000];
	v3 =	vadd.f32 v4, v3  }
0x154: {  	v4 =	vld [tilespmem:s24+$0x3000]  }
0x155: {  	v0 =	vadd.f32 v1, v0;
	v1 =	vld [tilespmem:s24+$0x1400];
	v2 =	vadd.f32 v2, v3  }
0x156: {  	v3 =	vld [tilespmem:s24+$0x3400]  }
0x157: {  	v0 =	vadd.f32 v6, v0;
	v6 =	vld [tilespmem:s24+$0x1800];
	v2 =	vadd.f32 v5, v2  }
0x158: {  	v5 =	vld [tilespmem:s24+$0x3800]  }
.Ltmp6:
0x159: {  	v7 =	vadd.f32 v7, v0;
	v0 =	vld [tilespmem:s24+$0x1C00];
	v2 =	vadd.f32 v4, v2;
	(pc) =	sbr.rel @p1 .LBB2_9-.Ltmp6, $3  }
0x15a: {  	_ = 	snop  }
0x15b: {  	v1 =	vadd.f32 v1, v7;
	v3 =	vadd.f32 v3, v2;
	_ =	sdelay $0x1  }
0x15c: {  	v2 =	vadd.f32 v6, v1;
	v1 =	vadd.f32 v5, v3  }
0x15d: {  	_ = 	snop  }
0x15e: {  	s25 =	sshra.s32 s25, $0x2;
	v0 =	vadd.f32 v0, v2  }
0x15f: {  	v3 =	vld [tilespmem:s25+$0x2800];
	v1 =	vmul.f32 $1.428571490e-01, v1  }
0x160: {  	v56 =	vld [tilespmem:s25+$0x2000];
	v0 =	vmul.f32 $1.428571490e-01, v0  }
0x161: {  	v4 =	vld [tilespmem:s25+$0x2400];
	[tilespmem:s24+$0x800] =	vst v1  }
0x162: {  	v1 =	vld [tilespmem:s25+$0x800];
	[tilespmem:s24+$0x400] =	vst v0  }
0x163: {  	v0 =	vld [tilespmem:s25+$0x400];
	_ =	sdelay $0x1  }
0x164: {  	v5 =	vld [tilespmem:s25+$0xC00]  }
0x165: {  	v6 =	vld [tilespmem:s25+$0x2C00]  }
0x166: {  	v7 =	vld [tilespmem:s25+$0x1000];
	v2 =	vadd.f32 v4, v56  }
0x167: {  	v57 =	vld [tilespmem:s25+$0x3000];
	v0 =	vadd.f32 v1, v0  }
0x168: {  	v58 =	vld [tilespmem:s25+$0x1400];
	v2 =	vadd.f32 v3, v2  }
0x169: {  	v59 =	vld [tilespmem:s25+$0x3400];
	v0 =	vadd.f32 v5, v0  }
0x16a: {  	v60 =	vld [tilespmem:s25+$0x1800];
	v2 =	vadd.f32 v6, v2  }
0x16b: {  	v61 =	vld [tilespmem:s25+$0x3800];
	v0 =	vadd.f32 v7, v0  }
0x16c: {  	v62 =	vld [tilespmem:s25+$0x1C00];
	v2 =	vadd.f32 v57, v2  }
0x16d: {  	v0 =	vadd.f32 v58, v0  }
0x16e: {  	v63 =	vadd.f32 v59, v2  }
0x16f: {  	v0 =	vadd.f32 v60, v0  }
0x170: {  	v1 =	vadd.f32 v61, v63  }
0x171: {  	v0 =	vadd.f32 v62, v0  }
0x172: {  	v1 =	vmul.f32 $1.428571490e-01, v1  }
0x173: {  	v0 =	vmul.f32 $1.428571490e-01, v0  }
0x174: {  	[tilespmem:s25+$0x800] =	vst v1  }
.Ltmp7:
0x175: {  	[tilespmem:s25+$0x400] =	vst v0;
	(pc) =	sbr.rel .LBB2_11-.Ltmp7, $4  }
0x176: {  	[hbm4b:s8+s4] =	stream.linear.scatter [tilespmem:s4], [sflag:$0x5], $0x800, $0x38;
	[tilespmem:$0x1C8C0] =	vst v63  }
0x177: {  	_ =	swait.ge [sflag:s11], $0x800  }
0x178: {  	[sflag:s11] =	ssyncset.done $0x0  }
0x179: {  	[sflag:s11] =	ssyncadd.s32 $0xFFFFF800  }
.LBB2_12:
0x17a: {  	_ =	sfence.sel $0x180000  }
0x17b: {  	[bflag:$0x0] =	sbarrier.arrive $0xFFFF  }
0x17c: {  	p0 =	sne.s32 s0, $0x0;
	_ =	strace $0x90000047  }
0x17d: {  	s0 =	sadd.s32 @!p0 $0x100000, s2;
	[bflag:$0x2] =	sbarrier.arrive $0xFFFF  }
0x17e: {  	[sflag:s0] =	ssyncadd.tile.s32 @!p0 $0x1;
	_ =	shalt  }
.Lfunc_end2:
_tile_overlayer_lowered:
.L_overlay_start_2:
0x17f: {  	(tag) =	ssettag $0x2  }
0x180: {  	s0 =	rddreg [dreg:$0x0];
	s2 =	stileid.u32  }
0x181: {  	s1 =	rddreg [dreg:$0x1];
	p0 =	sne.s32 s2, $0x0  }
0x182: {  	s3 =	rddreg [dreg:$0x2];
	[bflag:$0x3] =	sbarrier.arrive $0xFFFF;
	s2 =	simm.s32 @!p0 $0x1C05  }
0x183: {  	[timem:s3], [sflag:s2] =	dma.local @!p0 [hbm:s0], s1  }
0x184: {  	s0 =	simm.s32 @!p0 $0x5  }
0x185: {  	_ =	swait.ge @!p0 [sflag:s0], s1  }
0x186: {  	s1 =	ssub.s32 @!p0 $0x0, s1;
	[sflag:s0] =	ssyncset.done @!p0 $0x0  }
0x187: {  	[sflag:s0] =	ssyncadd.s32 @!p0 s1  }
0x188: {  	[bflag:$0x3] =	sbarrier.arrive $0xFFFF  }
0x189: {  	_ =	shalt  }

</sc_bundles>
